<compile_context>
chip_gen: v7x
topology: tpu7x:2x2x1
jax: 0.10.2.dev20260603
libtpu: 0.0.44.dev20260713+nightly
codegen_flags: <defaults>
</compile_context>

<pallas_src>
import functools

import jax
import jax.numpy as jnp
from jax import lax
from jax.experimental import pallas as pl
from jax.experimental.pallas import tpu as pltpu
from jax.experimental.pallas import tpu_sc as plsc

B = 16384
L = 200
VOCAB = 1000
VPAD = 1024
EMB = 32
H1 = 16

LPAD = 201
NW = 32
BAGS_PER_W = B // NW
GROUPS = BAGS_PER_W // 16


def _ptable_body(t_ref, w_ref, o_ref):
    o_ref[...] = jnp.dot(
        t_ref[...], w_ref[...], preferred_element_type=jnp.float32
    ) * (1.0 / L)


def _make_ptable(table_pad, w1t):
    return pl.pallas_call(
        _ptable_body,
        out_shape=jax.ShapeDtypeStruct((VPAD, H1), jnp.float32),
    )(table_pad, w1t)


def _full(v):
    return jnp.full((16,), v, dtype=jnp.int32)


def _sc_body(ptable_hbm, x_hbm, wpack_hbm, out_hbm,
             ptable_v, x_v, out_v, wp_v):
    wid = lax.axis_index("c") * 16 + lax.axis_index("s")
    base = wid * BAGS_PER_W

    pltpu.sync_copy(ptable_hbm, ptable_v)
    pltpu.sync_copy(x_hbm.at[pl.ds(base, BAGS_PER_W)], x_v.at[:, pl.ds(0, L)])
    pltpu.sync_copy(wpack_hbm, wp_v)

    lane = lax.iota(jnp.int32, 16)
    eoffs = tuple((lane + c) & 15 for c in range(H1))

    def group_body(g, carry):
        rows = lane + g * 16

        zero_accs = tuple(jnp.zeros((16,), jnp.float32) for _ in range(H1))

        @plsc.parallel_loop(0, L, unroll=4, carry=zero_accs)
        def accs(l, accs):
            lvec = jnp.broadcast_to(l, (16,))
            ivec = plsc.load_gather(x_v, [rows, lvec])
            return tuple(
                accs[c] + plsc.load_gather(ptable_v, [ivec, eoffs[c]])
                for c in range(H1)
            )

        z = plsc.load_gather(wp_v, [_full(40)])
        for c in range(H1):
            b1rot = plsc.load_gather(wp_v, [eoffs[c] + 8])
            w2rot = plsc.load_gather(wp_v, [eoffs[c] + 24])
            z = z + w2rot * jnp.maximum(accs[c] + b1rot, 0.0)
        out_v[pl.ds(g * 16, 16)] = 1.0 / (1.0 + jnp.exp(-z))
        return carry

    lax.fori_loop(0, GROUPS, group_body, 0)
    pltpu.sync_copy(out_v, out_hbm.at[pl.ds(base, BAGS_PER_W)])


_sc_call = functools.partial(
    pl.kernel,
    out_type=jax.ShapeDtypeStruct((B,), jnp.float32),
    mesh=plsc.VectorSubcoreMesh(core_axis_name="c", subcore_axis_name="s"),
    compiler_params=pltpu.CompilerParams(
        use_tc_tiling_on_sc=False,
        needs_layout_passes=False,
        disable_bounds_checks=True,
    ),
    scratch_types=[
        pltpu.VMEM((VPAD, H1), jnp.float32),
        pltpu.VMEM((BAGS_PER_W, LPAD), jnp.int32),
        pltpu.VMEM((BAGS_PER_W,), jnp.float32),
        pltpu.VMEM((48,), jnp.float32),
    ],
)(_sc_body)


def kernel(x, table, W1, b1, W2, b2):
    table_pad = jnp.pad(table, ((0, VPAD - VOCAB), (0, 0)))
    ptable = _make_ptable(table_pad, W1.T)
    wpack = jnp.concatenate([
        jnp.zeros((8,), jnp.float32), b1, W2.reshape(H1),
        jnp.broadcast_to(b2, (8,)),
    ]).astype(jnp.float32)
    out = _sc_call(ptable, x, wpack)
    return out.reshape(B, 1)

# --- scband reference (transcript-rebuilt; emitter-appended) ---
"""Pipeline reference for scband-symptom-classifier-84473416778103 (READ-ONLY COPY).

The authoritative reference and input builder live on the scoring server;
editing this copy changes nothing except your own understanding.
"""

import jax, jax.numpy as jnp
import numpy as np

B = 16384
L = 200
VOCAB = 1000
EMB = 32
H1 = 16

def setup_inputs(seed: int = 0) -> dict:
    key = jax.random.key(seed)
    k1, k2, k3, k4, k5, k6 = jax.random.split(key, 6)
    x = jax.random.randint(k1, (B, L), 0, VOCAB)
    table = jax.random.normal(k2, (VOCAB, EMB), dtype=jnp.float32)
    W1 = jax.random.normal(k3, (H1, EMB), dtype=jnp.float32) * (1.0 / np.sqrt(EMB))
    b1 = jax.random.normal(k4, (H1,), dtype=jnp.float32) * 0.01
    W2 = jax.random.normal(k5, (1, H1), dtype=jnp.float32) * (1.0 / np.sqrt(H1))
    b2 = jax.random.normal(k6, (1,), dtype=jnp.float32) * 0.01
    return {"x": x, "table": table, "W1": W1, "b1": b1, "W2": W2, "b2": b2}

def reference(x, table, W1, b1, W2, b2):
    # EmbeddingBag with default mode='mean': gather then mean over bag dim
    emb = jnp.take(table, x, axis=0)          # [B, L, EMB]
    pooled = jnp.mean(emb, axis=1)            # [B, EMB]
    # flatten(start_dim=1) is a no-op on [B, EMB]
    h = jnp.maximum(pooled @ W1.T + b1, 0.0)  # [B, 16]
    out = jax.nn.sigmoid(h @ W2.T + b2)       # [B, 1]
    return out

if __name__ == "__main__":
    import jax
    _d = setup_inputs()
    print(jax.jit(kernel)(*tuple(_d.values())))

</pallas_src>

<mosaic_0001>
#map = affine_map<(d0, d1) -> (0, 0)>
#map1 = affine_map<(d0, d1) -> (0)>
module attributes {stable_mosaic.version = 14 : i64} {
  func.func @_sc_body(%arg0: i32, %arg1: i32, %arg2: memref<1024x16xf32, #tpu.memory_space<hbm>>, %arg3: memref<16384x200xi32, #tpu.memory_space<hbm>>, %arg4: memref<48xf32, #tpu.memory_space<hbm>>, %arg5: memref<16384xf32, #tpu.memory_space<hbm>>, %arg6: memref<1024x16xf32, #tpu.memory_space<vmem>>, %arg7: memref<512x201xi32, #tpu.memory_space<vmem>>, %arg8: memref<512xf32, #tpu.memory_space<vmem>>, %arg9: memref<48xf32, #tpu.memory_space<vmem>>) attributes {dimension_semantics = [#tpu.dimension_semantics<core_parallel>, #tpu.dimension_semantics<subcore_parallel>], iteration_bounds = array<i64: 2, 16>, scalar_prefetch = 0 : i64, scratch_operands = 4 : i64, tpu.core_type = #tpu.core_type<sc_vector_subcore>, window_params = [{transform_indices = #map}, {transform_indices = #map}, {transform_indices = #map1}, {transform_indices = #map1}]} {
    %mul3A = arith.constant 16 : i32
    %mul3A_0 = arith.muli %arg0, %mul3A : i32
    %add3A = arith.addi %mul3A_0, %arg1 : i32
    %mul3A_1 = arith.constant 512 : i32
    %mul3A_2 = arith.muli %add3A, %mul3A_1 : i32
    "tpu.region"() ({
      %run_scoped3A = tpu.sem_alloc : memref<!tpu.dma_semaphore, #tpu.memory_space<semaphore_mem>>
      tpu.enqueue_dma source(%arg2 : memref<1024x16xf32, #tpu.memory_space<hbm>>) target(%arg6 : memref<1024x16xf32, #tpu.memory_space<vmem>>) target_semaphore(%run_scoped3A : memref<!tpu.dma_semaphore, #tpu.memory_space<semaphore_mem>>)
      tpu.wait_dma2 semaphore(%run_scoped3A : memref<!tpu.dma_semaphore, #tpu.memory_space<semaphore_mem>>) src(%arg2 : memref<1024x16xf32, #tpu.memory_space<hbm>>) dst(%arg6 : memref<1024x16xf32, #tpu.memory_space<vmem>>)
      tpu.yield
    }) : () -> ()
    "tpu.region"() ({
      %run_scoped3A = tpu.sem_alloc : memref<!tpu.dma_semaphore, #tpu.memory_space<semaphore_mem>>
      %dma_start3A = arith.constant 0 : i32
      %dma_start3A_103 = arith.constant 0 : i32
      %dma_start3A_104 = tpu.memref_slice %arg7[%dma_start3A, %dma_start3A_103] : memref<512x201xi32, #tpu.memory_space<vmem>> -> memref<512x200xi32, #tpu.memory_space<vmem>>
      %dma_start3A_105 = arith.constant 0 : i32
      %dma_start3A_106 = tpu.memref_slice %arg3[%mul3A_2, %dma_start3A_105] : memref<16384x200xi32, #tpu.memory_space<hbm>> -> memref<512x200xi32, #tpu.memory_space<hbm>>
      %dma_start3A_107 = arith.constant 0 : i32
      %dma_start3A_108 = arith.constant 0 : i32
      %dma_start3A_109 = tpu.memref_slice %arg7[%dma_start3A_107, %dma_start3A_108] : memref<512x201xi32, #tpu.memory_space<vmem>> -> memref<512x200xi32, #tpu.memory_space<vmem>>
      %dma_start3A_110 = arith.constant 0 : i32
      %dma_start3A_111 = tpu.memref_slice %arg3[%mul3A_2, %dma_start3A_110] : memref<16384x200xi32, #tpu.memory_space<hbm>> -> memref<512x200xi32, #tpu.memory_space<hbm>>
      tpu.enqueue_dma source(%dma_start3A_111 : memref<512x200xi32, #tpu.memory_space<hbm>>) target(%dma_start3A_109 : memref<512x200xi32, #tpu.memory_space<vmem>>) target_semaphore(%run_scoped3A : memref<!tpu.dma_semaphore, #tpu.memory_space<semaphore_mem>>)
      %dma_wait3A = arith.constant 0 : i32
      %dma_wait3A_112 = arith.constant 0 : i32
      %dma_wait3A_113 = tpu.memref_slice %arg7[%dma_wait3A, %dma_wait3A_112] : memref<512x201xi32, #tpu.memory_space<vmem>> -> memref<512x200xi32, #tpu.memory_space<vmem>>
      %dma_wait3A_114 = arith.constant 0 : i32
      %dma_wait3A_115 = tpu.memref_slice %arg3[%mul3A_2, %dma_wait3A_114] : memref<16384x200xi32, #tpu.memory_space<hbm>> -> memref<512x200xi32, #tpu.memory_space<hbm>>
      %dma_wait3A_116 = arith.constant 0 : i32
      %dma_wait3A_117 = arith.constant 0 : i32
      %dma_wait3A_118 = tpu.memref_slice %arg7[%dma_wait3A_116, %dma_wait3A_117] : memref<512x201xi32, #tpu.memory_space<vmem>> -> memref<512x200xi32, #tpu.memory_space<vmem>>
      %dma_wait3A_119 = arith.constant 0 : i32
      %dma_wait3A_120 = tpu.memref_slice %arg3[%mul3A_2, %dma_wait3A_119] : memref<16384x200xi32, #tpu.memory_space<hbm>> -> memref<512x200xi32, #tpu.memory_space<hbm>>
      tpu.wait_dma2 semaphore(%run_scoped3A : memref<!tpu.dma_semaphore, #tpu.memory_space<semaphore_mem>>) src(%dma_wait3A_120 : memref<512x200xi32, #tpu.memory_space<hbm>>) dst(%dma_wait3A_118 : memref<512x200xi32, #tpu.memory_space<vmem>>)
      tpu.yield
    }) : () -> ()
    "tpu.region"() ({
      %run_scoped3A = tpu.sem_alloc : memref<!tpu.dma_semaphore, #tpu.memory_space<semaphore_mem>>
      tpu.enqueue_dma source(%arg4 : memref<48xf32, #tpu.memory_space<hbm>>) target(%arg9 : memref<48xf32, #tpu.memory_space<vmem>>) target_semaphore(%run_scoped3A : memref<!tpu.dma_semaphore, #tpu.memory_space<semaphore_mem>>)
      tpu.wait_dma2 semaphore(%run_scoped3A : memref<!tpu.dma_semaphore, #tpu.memory_space<semaphore_mem>>) src(%arg4 : memref<48xf32, #tpu.memory_space<hbm>>) dst(%arg9 : memref<48xf32, #tpu.memory_space<vmem>>)
      tpu.yield
    }) : () -> ()
    %iota3A = tpu.iota {dimensions = array<i32: 0>} : vector<16xi32>
    %add3A_3 = arith.constant 0 : i32
    %add3A_4 = vector.broadcast %add3A_3 : i32 to vector<16xi32>
    %add3A_5 = arith.addi %iota3A, %add3A_4 : vector<16xi32>
    %and3A = arith.constant 15 : i32
    %and3A_6 = vector.broadcast %and3A : i32 to vector<16xi32>
    %and3A_7 = arith.andi %add3A_5, %and3A_6 : vector<16xi32>
    %add3A_8 = arith.constant 1 : i32
    %add3A_9 = vector.broadcast %add3A_8 : i32 to vector<16xi32>
    %add3A_10 = arith.addi %iota3A, %add3A_9 : vector<16xi32>
    %and3A_11 = arith.constant 15 : i32
    %and3A_12 = vector.broadcast %and3A_11 : i32 to vector<16xi32>
    %and3A_13 = arith.andi %add3A_10, %and3A_12 : vector<16xi32>
    %add3A_14 = arith.constant 2 : i32
    %add3A_15 = vector.broadcast %add3A_14 : i32 to vector<16xi32>
    %add3A_16 = arith.addi %iota3A, %add3A_15 : vector<16xi32>
    %and3A_17 = arith.constant 15 : i32
    %and3A_18 = vector.broadcast %and3A_17 : i32 to vector<16xi32>
    %and3A_19 = arith.andi %add3A_16, %and3A_18 : vector<16xi32>
    %add3A_20 = arith.constant 3 : i32
    %add3A_21 = vector.broadcast %add3A_20 : i32 to vector<16xi32>
    %add3A_22 = arith.addi %iota3A, %add3A_21 : vector<16xi32>
    %and3A_23 = arith.constant 15 : i32
    %and3A_24 = vector.broadcast %and3A_23 : i32 to vector<16xi32>
    %and3A_25 = arith.andi %add3A_22, %and3A_24 : vector<16xi32>
    %add3A_26 = arith.constant 4 : i32
    %add3A_27 = vector.broadcast %add3A_26 : i32 to vector<16xi32>
    %add3A_28 = arith.addi %iota3A, %add3A_27 : vector<16xi32>
    %and3A_29 = arith.constant 15 : i32
    %and3A_30 = vector.broadcast %and3A_29 : i32 to vector<16xi32>
    %and3A_31 = arith.andi %add3A_28, %and3A_30 : vector<16xi32>
    %add3A_32 = arith.constant 5 : i32
    %add3A_33 = vector.broadcast %add3A_32 : i32 to vector<16xi32>
    %add3A_34 = arith.addi %iota3A, %add3A_33 : vector<16xi32>
    %and3A_35 = arith.constant 15 : i32
    %and3A_36 = vector.broadcast %and3A_35 : i32 to vector<16xi32>
    %and3A_37 = arith.andi %add3A_34, %and3A_36 : vector<16xi32>
    %add3A_38 = arith.constant 6 : i32
    %add3A_39 = vector.broadcast %add3A_38 : i32 to vector<16xi32>
    %add3A_40 = arith.addi %iota3A, %add3A_39 : vector<16xi32>
    %and3A_41 = arith.constant 15 : i32
    %and3A_42 = vector.broadcast %and3A_41 : i32 to vector<16xi32>
    %and3A_43 = arith.andi %add3A_40, %and3A_42 : vector<16xi32>
    %add3A_44 = arith.constant 7 : i32
    %add3A_45 = vector.broadcast %add3A_44 : i32 to vector<16xi32>
    %add3A_46 = arith.addi %iota3A, %add3A_45 : vector<16xi32>
    %and3A_47 = arith.constant 15 : i32
    %and3A_48 = vector.broadcast %and3A_47 : i32 to vector<16xi32>
    %and3A_49 = arith.andi %add3A_46, %and3A_48 : vector<16xi32>
    %add3A_50 = arith.constant 8 : i32
    %add3A_51 = vector.broadcast %add3A_50 : i32 to vector<16xi32>
    %add3A_52 = arith.addi %iota3A, %add3A_51 : vector<16xi32>
    %and3A_53 = arith.constant 15 : i32
    %and3A_54 = vector.broadcast %and3A_53 : i32 to vector<16xi32>
    %and3A_55 = arith.andi %add3A_52, %and3A_54 : vector<16xi32>
    %add3A_56 = arith.constant 9 : i32
    %add3A_57 = vector.broadcast %add3A_56 : i32 to vector<16xi32>
    %add3A_58 = arith.addi %iota3A, %add3A_57 : vector<16xi32>
    %and3A_59 = arith.constant 15 : i32
    %and3A_60 = vector.broadcast %and3A_59 : i32 to vector<16xi32>
    %and3A_61 = arith.andi %add3A_58, %and3A_60 : vector<16xi32>
    %add3A_62 = arith.constant 10 : i32
    %add3A_63 = vector.broadcast %add3A_62 : i32 to vector<16xi32>
    %add3A_64 = arith.addi %iota3A, %add3A_63 : vector<16xi32>
    %and3A_65 = arith.constant 15 : i32
    %and3A_66 = vector.broadcast %and3A_65 : i32 to vector<16xi32>
    %and3A_67 = arith.andi %add3A_64, %and3A_66 : vector<16xi32>
    %add3A_68 = arith.constant 11 : i32
    %add3A_69 = vector.broadcast %add3A_68 : i32 to vector<16xi32>
    %add3A_70 = arith.addi %iota3A, %add3A_69 : vector<16xi32>
    %and3A_71 = arith.constant 15 : i32
    %and3A_72 = vector.broadcast %and3A_71 : i32 to vector<16xi32>
    %and3A_73 = arith.andi %add3A_70, %and3A_72 : vector<16xi32>
    %add3A_74 = arith.constant 12 : i32
    %add3A_75 = vector.broadcast %add3A_74 : i32 to vector<16xi32>
    %add3A_76 = arith.addi %iota3A, %add3A_75 : vector<16xi32>
    %and3A_77 = arith.constant 15 : i32
    %and3A_78 = vector.broadcast %and3A_77 : i32 to vector<16xi32>
    %and3A_79 = arith.andi %add3A_76, %and3A_78 : vector<16xi32>
    %add3A_80 = arith.constant 13 : i32
    %add3A_81 = vector.broadcast %add3A_80 : i32 to vector<16xi32>
    %add3A_82 = arith.addi %iota3A, %add3A_81 : vector<16xi32>
    %and3A_83 = arith.constant 15 : i32
    %and3A_84 = vector.broadcast %and3A_83 : i32 to vector<16xi32>
    %and3A_85 = arith.andi %add3A_82, %and3A_84 : vector<16xi32>
    %add3A_86 = arith.constant 14 : i32
    %add3A_87 = vector.broadcast %add3A_86 : i32 to vector<16xi32>
    %add3A_88 = arith.addi %iota3A, %add3A_87 : vector<16xi32>
    %and3A_89 = arith.constant 15 : i32
    %and3A_90 = vector.broadcast %and3A_89 : i32 to vector<16xi32>
    %and3A_91 = arith.andi %add3A_88, %and3A_90 : vector<16xi32>
    %add3A_92 = arith.constant 15 : i32
    %add3A_93 = vector.broadcast %add3A_92 : i32 to vector<16xi32>
    %add3A_94 = arith.addi %iota3A, %add3A_93 : vector<16xi32>
    %and3A_95 = arith.constant 15 : i32
    %and3A_96 = vector.broadcast %and3A_95 : i32 to vector<16xi32>
    %and3A_97 = arith.andi %add3A_94, %and3A_96 : vector<16xi32>
    %scan3A = arith.constant 0 : i32
    %scan3A_98 = arith.constant 0 : i32
    %scan3A_99 = arith.constant 32 : i32
    %scan3A_100 = arith.addi %scan3A_98, %scan3A_99 : i32
    %scan3A_101 = arith.constant 1 : i32
    scf.for %scan3A_103 = %scan3A_98 to %scan3A_100 step %scan3A_101  : i32 {
      %mul3A_104 = arith.constant 16 : i32
      %mul3A_105 = arith.muli %scan3A_103, %mul3A_104 : i32
      %add3A_106 = vector.broadcast %mul3A_105 : i32 to vector<16xi32>
      %add3A_107 = arith.addi %iota3A, %add3A_106 : vector<16xi32>
      %broadcast_in_dim3A = arith.constant 0.000000e+00 : f32
      %broadcast_in_dim3A_108 = vector.broadcast %broadcast_in_dim3A : f32 to vector<16xf32>
      %broadcast_in_dim3A_109 = arith.constant 0.000000e+00 : f32
      %broadcast_in_dim3A_110 = vector.broadcast %broadcast_in_dim3A_109 : f32 to vector<16xf32>
      %broadcast_in_dim3A_111 = arith.constant 0.000000e+00 : f32
      %broadcast_in_dim3A_112 = vector.broadcast %broadcast_in_dim3A_111 : f32 to vector<16xf32>
      %broadcast_in_dim3A_113 = arith.constant 0.000000e+00 : f32
      %broadcast_in_dim3A_114 = vector.broadcast %broadcast_in_dim3A_113 : f32 to vector<16xf32>
      %broadcast_in_dim3A_115 = arith.constant 0.000000e+00 : f32
      %broadcast_in_dim3A_116 = vector.broadcast %broadcast_in_dim3A_115 : f32 to vector<16xf32>
      %broadcast_in_dim3A_117 = arith.constant 0.000000e+00 : f32
      %broadcast_in_dim3A_118 = vector.broadcast %broadcast_in_dim3A_117 : f32 to vector<16xf32>
      %broadcast_in_dim3A_119 = arith.constant 0.000000e+00 : f32
      %broadcast_in_dim3A_120 = vector.broadcast %broadcast_in_dim3A_119 : f32 to vector<16xf32>
      %broadcast_in_dim3A_121 = arith.constant 0.000000e+00 : f32
      %broadcast_in_dim3A_122 = vector.broadcast %broadcast_in_dim3A_121 : f32 to vector<16xf32>
      %broadcast_in_dim3A_123 = arith.constant 0.000000e+00 : f32
      %broadcast_in_dim3A_124 = vector.broadcast %broadcast_in_dim3A_123 : f32 to vector<16xf32>
      %broadcast_in_dim3A_125 = arith.constant 0.000000e+00 : f32
      %broadcast_in_dim3A_126 = vector.broadcast %broadcast_in_dim3A_125 : f32 to vector<16xf32>
      %broadcast_in_dim3A_127 = arith.constant 0.000000e+00 : f32
      %broadcast_in_dim3A_128 = vector.broadcast %broadcast_in_dim3A_127 : f32 to vector<16xf32>
      %broadcast_in_dim3A_129 = arith.constant 0.000000e+00 : f32
      %broadcast_in_dim3A_130 = vector.broadcast %broadcast_in_dim3A_129 : f32 to vector<16xf32>
      %broadcast_in_dim3A_131 = arith.constant 0.000000e+00 : f32
      %broadcast_in_dim3A_132 = vector.broadcast %broadcast_in_dim3A_131 : f32 to vector<16xf32>
      %broadcast_in_dim3A_133 = arith.constant 0.000000e+00 : f32
      %broadcast_in_dim3A_134 = vector.broadcast %broadcast_in_dim3A_133 : f32 to vector<16xf32>
      %broadcast_in_dim3A_135 = arith.constant 0.000000e+00 : f32
      %broadcast_in_dim3A_136 = vector.broadcast %broadcast_in_dim3A_135 : f32 to vector<16xf32>
      %broadcast_in_dim3A_137 = arith.constant 0.000000e+00 : f32
      %broadcast_in_dim3A_138 = vector.broadcast %broadcast_in_dim3A_137 : f32 to vector<16xf32>
      %parallel_loop3A = arith.constant 0 : i32
      %parallel_loop3A_139 = arith.constant 200 : i32
      %parallel_loop3A_140 = arith.constant 1 : i32
      %parallel_loop3A_141:16 = scf.for %parallel_loop3A_377 = %parallel_loop3A to %parallel_loop3A_139 step %parallel_loop3A_140 iter_args(%parallel_loop3A_378 = %broadcast_in_dim3A_108, %parallel_loop3A_379 = %broadcast_in_dim3A_110, %parallel_loop3A_380 = %broadcast_in_dim3A_112, %parallel_loop3A_381 = %broadcast_in_dim3A_114, %parallel_loop3A_382 = %broadcast_in_dim3A_116, %parallel_loop3A_383 = %broadcast_in_dim3A_118, %parallel_loop3A_384 = %broadcast_in_dim3A_120, %parallel_loop3A_385 = %broadcast_in_dim3A_122, %parallel_loop3A_386 = %broadcast_in_dim3A_124, %parallel_loop3A_387 = %broadcast_in_dim3A_126, %parallel_loop3A_388 = %broadcast_in_dim3A_128, %parallel_loop3A_389 = %broadcast_in_dim3A_130, %parallel_loop3A_390 = %broadcast_in_dim3A_132, %parallel_loop3A_391 = %broadcast_in_dim3A_134, %parallel_loop3A_392 = %broadcast_in_dim3A_136, %parallel_loop3A_393 = %broadcast_in_dim3A_138) -> (vector<16xf32>, vector<16xf32>, vector<16xf32>, vector<16xf32>, vector<16xf32>, vector<16xf32>, vector<16xf32>, vector<16xf32>, vector<16xf32>, vector<16xf32>, vector<16xf32>, vector<16xf32>, vector<16xf32>, vector<16xf32>, vector<16xf32>, vector<16xf32>)  : i32 {
        %parallel_loop3A_394 = vector.broadcast %parallel_loop3A_377 : i32 to vector<16xi32>
        %parallel_loop3A_395 = tpu.vector_load_idx %arg7[%add3A_107, %parallel_loop3A_394] : memref<512x201xi32, #tpu.memory_space<vmem>>[vector<16xi32>, vector<16xi32>], vector<16xi32>,
        %parallel_loop3A_396 = tpu.vector_load_idx %arg6[%parallel_loop3A_395, %and3A_7] : memref<1024x16xf32, #tpu.memory_space<vmem>>[vector<16xi32>, vector<16xi32>], vector<16xf32>,
        %parallel_loop3A_397 = arith.addf %parallel_loop3A_378, %parallel_loop3A_396 : vector<16xf32>
        %parallel_loop3A_398 = tpu.vector_load_idx %arg6[%parallel_loop3A_395, %and3A_13] : memref<1024x16xf32, #tpu.memory_space<vmem>>[vector<16xi32>, vector<16xi32>], vector<16xf32>,
        %parallel_loop3A_399 = arith.addf %parallel_loop3A_379, %parallel_loop3A_398 : vector<16xf32>
        %parallel_loop3A_400 = tpu.vector_load_idx %arg6[%parallel_loop3A_395, %and3A_19] : memref<1024x16xf32, #tpu.memory_space<vmem>>[vector<16xi32>, vector<16xi32>], vector<16xf32>,
        %parallel_loop3A_401 = arith.addf %parallel_loop3A_380, %parallel_loop3A_400 : vector<16xf32>
        %parallel_loop3A_402 = tpu.vector_load_idx %arg6[%parallel_loop3A_395, %and3A_25] : memref<1024x16xf32, #tpu.memory_space<vmem>>[vector<16xi32>, vector<16xi32>], vector<16xf32>,
        %parallel_loop3A_403 = arith.addf %parallel_loop3A_381, %parallel_loop3A_402 : vector<16xf32>
        %parallel_loop3A_404 = tpu.vector_load_idx %arg6[%parallel_loop3A_395, %and3A_31] : memref<1024x16xf32, #tpu.memory_space<vmem>>[vector<16xi32>, vector<16xi32>], vector<16xf32>,
        %parallel_loop3A_405 = arith.addf %parallel_loop3A_382, %parallel_loop3A_404 : vector<16xf32>
        %parallel_loop3A_406 = tpu.vector_load_idx %arg6[%parallel_loop3A_395, %and3A_37] : memref<1024x16xf32, #tpu.memory_space<vmem>>[vector<16xi32>, vector<16xi32>], vector<16xf32>,
        %parallel_loop3A_407 = arith.addf %parallel_loop3A_383, %parallel_loop3A_406 : vector<16xf32>
        %parallel_loop3A_408 = tpu.vector_load_idx %arg6[%parallel_loop3A_395, %and3A_43] : memref<1024x16xf32, #tpu.memory_space<vmem>>[vector<16xi32>, vector<16xi32>], vector<16xf32>,
        %parallel_loop3A_409 = arith.addf %parallel_loop3A_384, %parallel_loop3A_408 : vector<16xf32>
        %parallel_loop3A_410 = tpu.vector_load_idx %arg6[%parallel_loop3A_395, %and3A_49] : memref<1024x16xf32, #tpu.memory_space<vmem>>[vector<16xi32>, vector<16xi32>], vector<16xf32>,
        %parallel_loop3A_411 = arith.addf %parallel_loop3A_385, %parallel_loop3A_410 : vector<16xf32>
        %parallel_loop3A_412 = tpu.vector_load_idx %arg6[%parallel_loop3A_395, %and3A_55] : memref<1024x16xf32, #tpu.memory_space<vmem>>[vector<16xi32>, vector<16xi32>], vector<16xf32>,
        %parallel_loop3A_413 = arith.addf %parallel_loop3A_386, %parallel_loop3A_412 : vector<16xf32>
        %parallel_loop3A_414 = tpu.vector_load_idx %arg6[%parallel_loop3A_395, %and3A_61] : memref<1024x16xf32, #tpu.memory_space<vmem>>[vector<16xi32>, vector<16xi32>], vector<16xf32>,
        %parallel_loop3A_415 = arith.addf %parallel_loop3A_387, %parallel_loop3A_414 : vector<16xf32>
        %parallel_loop3A_416 = tpu.vector_load_idx %arg6[%parallel_loop3A_395, %and3A_67] : memref<1024x16xf32, #tpu.memory_space<vmem>>[vector<16xi32>, vector<16xi32>], vector<16xf32>,
        %parallel_loop3A_417 = arith.addf %parallel_loop3A_388, %parallel_loop3A_416 : vector<16xf32>
        %parallel_loop3A_418 = tpu.vector_load_idx %arg6[%parallel_loop3A_395, %and3A_73] : memref<1024x16xf32, #tpu.memory_space<vmem>>[vector<16xi32>, vector<16xi32>], vector<16xf32>,
        %parallel_loop3A_419 = arith.addf %parallel_loop3A_389, %parallel_loop3A_418 : vector<16xf32>
        %parallel_loop3A_420 = tpu.vector_load_idx %arg6[%parallel_loop3A_395, %and3A_79] : memref<1024x16xf32, #tpu.memory_space<vmem>>[vector<16xi32>, vector<16xi32>], vector<16xf32>,
        %parallel_loop3A_421 = arith.addf %parallel_loop3A_390, %parallel_loop3A_420 : vector<16xf32>
        %parallel_loop3A_422 = tpu.vector_load_idx %arg6[%parallel_loop3A_395, %and3A_85] : memref<1024x16xf32, #tpu.memory_space<vmem>>[vector<16xi32>, vector<16xi32>], vector<16xf32>,
        %parallel_loop3A_423 = arith.addf %parallel_loop3A_391, %parallel_loop3A_422 : vector<16xf32>
        %parallel_loop3A_424 = tpu.vector_load_idx %arg6[%parallel_loop3A_395, %and3A_91] : memref<1024x16xf32, #tpu.memory_space<vmem>>[vector<16xi32>, vector<16xi32>], vector<16xf32>,
        %parallel_loop3A_425 = arith.addf %parallel_loop3A_392, %parallel_loop3A_424 : vector<16xf32>
        %parallel_loop3A_426 = tpu.vector_load_idx %arg6[%parallel_loop3A_395, %and3A_97] : memref<1024x16xf32, #tpu.memory_space<vmem>>[vector<16xi32>, vector<16xi32>], vector<16xf32>,
        %parallel_loop3A_427 = arith.addf %parallel_loop3A_393, %parallel_loop3A_426 : vector<16xf32>
        scf.yield %parallel_loop3A_397, %parallel_loop3A_399, %parallel_loop3A_401, %parallel_loop3A_403, %parallel_loop3A_405, %parallel_loop3A_407, %parallel_loop3A_409, %parallel_loop3A_411, %parallel_loop3A_413, %parallel_loop3A_415, %parallel_loop3A_417, %parallel_loop3A_419, %parallel_loop3A_421, %parallel_loop3A_423, %parallel_loop3A_425, %parallel_loop3A_427 : vector<16xf32>, vector<16xf32>, vector<16xf32>, vector<16xf32>, vector<16xf32>, vector<16xf32>, vector<16xf32>, vector<16xf32>, vector<16xf32>, vector<16xf32>, vector<16xf32>, vector<16xf32>, vector<16xf32>, vector<16xf32>, vector<16xf32>, vector<16xf32>
      } {sc.loop_unroll_factor = 4 : i64, sc.parallel_access}
      %broadcast_in_dim3A_142 = arith.constant 40 : i32
      %broadcast_in_dim3A_143 = vector.broadcast %broadcast_in_dim3A_142 : i32 to vector<16xi32>
      %gather3A = tpu.vector_load_idx %arg9[%broadcast_in_dim3A_143] : memref<48xf32, #tpu.memory_space<vmem>>[vector<16xi32>], vector<16xf32>,
      %add3A_144 = arith.constant 8 : i32
      %add3A_145 = vector.broadcast %add3A_144 : i32 to vector<16xi32>
      %add3A_146 = arith.addi %and3A_7, %add3A_145 : vector<16xi32>
      %gather3A_147 = tpu.vector_load_idx %arg9[%add3A_146] : memref<48xf32, #tpu.memory_space<vmem>>[vector<16xi32>], vector<16xf32>,
      %add3A_148 = arith.constant 24 : i32
      %add3A_149 = vector.broadcast %add3A_148 : i32 to vector<16xi32>
      %add3A_150 = arith.addi %and3A_7, %add3A_149 : vector<16xi32>
      %gather3A_151 = tpu.vector_load_idx %arg9[%add3A_150] : memref<48xf32, #tpu.memory_space<vmem>>[vector<16xi32>], vector<16xf32>,
      %add3A_152 = arith.addf %parallel_loop3A_141#0, %gather3A_147 : vector<16xf32>
      %max3A = arith.constant 0.000000e+00 : f32
      %max3A_153 = vector.broadcast %max3A : f32 to vector<16xf32>
      %max3A_154 = arith.maximumf %add3A_152, %max3A_153 : vector<16xf32>
      %mul3A_155 = arith.mulf %gather3A_151, %max3A_154 : vector<16xf32>
      %add3A_156 = arith.addf %gather3A, %mul3A_155 : vector<16xf32>
      %add3A_157 = arith.constant 8 : i32
      %add3A_158 = vector.broadcast %add3A_157 : i32 to vector<16xi32>
      %add3A_159 = arith.addi %and3A_13, %add3A_158 : vector<16xi32>
      %gather3A_160 = tpu.vector_load_idx %arg9[%add3A_159] : memref<48xf32, #tpu.memory_space<vmem>>[vector<16xi32>], vector<16xf32>,
      %add3A_161 = arith.constant 24 : i32
      %add3A_162 = vector.broadcast %add3A_161 : i32 to vector<16xi32>
      %add3A_163 = arith.addi %and3A_13, %add3A_162 : vector<16xi32>
      %gather3A_164 = tpu.vector_load_idx %arg9[%add3A_163] : memref<48xf32, #tpu.memory_space<vmem>>[vector<16xi32>], vector<16xf32>,
      %add3A_165 = arith.addf %parallel_loop3A_141#1, %gather3A_160 : vector<16xf32>
      %max3A_166 = arith.constant 0.000000e+00 : f32
      %max3A_167 = vector.broadcast %max3A_166 : f32 to vector<16xf32>
      %max3A_168 = arith.maximumf %add3A_165, %max3A_167 : vector<16xf32>
      %mul3A_169 = arith.mulf %gather3A_164, %max3A_168 : vector<16xf32>
      %add3A_170 = arith.addf %add3A_156, %mul3A_169 : vector<16xf32>
      %add3A_171 = arith.constant 8 : i32
      %add3A_172 = vector.broadcast %add3A_171 : i32 to vector<16xi32>
      %add3A_173 = arith.addi %and3A_19, %add3A_172 : vector<16xi32>
      %gather3A_174 = tpu.vector_load_idx %arg9[%add3A_173] : memref<48xf32, #tpu.memory_space<vmem>>[vector<16xi32>], vector<16xf32>,
      %add3A_175 = arith.constant 24 : i32
      %add3A_176 = vector.broadcast %add3A_175 : i32 to vector<16xi32>
      %add3A_177 = arith.addi %and3A_19, %add3A_176 : vector<16xi32>
      %gather3A_178 = tpu.vector_load_idx %arg9[%add3A_177] : memref<48xf32, #tpu.memory_space<vmem>>[vector<16xi32>], vector<16xf32>,
      %add3A_179 = arith.addf %parallel_loop3A_141#2, %gather3A_174 : vector<16xf32>
      %max3A_180 = arith.constant 0.000000e+00 : f32
      %max3A_181 = vector.broadcast %max3A_180 : f32 to vector<16xf32>
      %max3A_182 = arith.maximumf %add3A_179, %max3A_181 : vector<16xf32>
      %mul3A_183 = arith.mulf %gather3A_178, %max3A_182 : vector<16xf32>
      %add3A_184 = arith.addf %add3A_170, %mul3A_183 : vector<16xf32>
      %add3A_185 = arith.constant 8 : i32
      %add3A_186 = vector.broadcast %add3A_185 : i32 to vector<16xi32>
      %add3A_187 = arith.addi %and3A_25, %add3A_186 : vector<16xi32>
      %gather3A_188 = tpu.vector_load_idx %arg9[%add3A_187] : memref<48xf32, #tpu.memory_space<vmem>>[vector<16xi32>], vector<16xf32>,
      %add3A_189 = arith.constant 24 : i32
      %add3A_190 = vector.broadcast %add3A_189 : i32 to vector<16xi32>
      %add3A_191 = arith.addi %and3A_25, %add3A_190 : vector<16xi32>
      %gather3A_192 = tpu.vector_load_idx %arg9[%add3A_191] : memref<48xf32, #tpu.memory_space<vmem>>[vector<16xi32>], vector<16xf32>,
      %add3A_193 = arith.addf %parallel_loop3A_141#3, %gather3A_188 : vector<16xf32>
      %max3A_194 = arith.constant 0.000000e+00 : f32
      %max3A_195 = vector.broadcast %max3A_194 : f32 to vector<16xf32>
      %max3A_196 = arith.maximumf %add3A_193, %max3A_195 : vector<16xf32>
      %mul3A_197 = arith.mulf %gather3A_192, %max3A_196 : vector<16xf32>
      %add3A_198 = arith.addf %add3A_184, %mul3A_197 : vector<16xf32>
      %add3A_199 = arith.constant 8 : i32
      %add3A_200 = vector.broadcast %add3A_199 : i32 to vector<16xi32>
      %add3A_201 = arith.addi %and3A_31, %add3A_200 : vector<16xi32>
      %gather3A_202 = tpu.vector_load_idx %arg9[%add3A_201] : memref<48xf32, #tpu.memory_space<vmem>>[vector<16xi32>], vector<16xf32>,
      %add3A_203 = arith.constant 24 : i32
      %add3A_204 = vector.broadcast %add3A_203 : i32 to vector<16xi32>
      %add3A_205 = arith.addi %and3A_31, %add3A_204 : vector<16xi32>
      %gather3A_206 = tpu.vector_load_idx %arg9[%add3A_205] : memref<48xf32, #tpu.memory_space<vmem>>[vector<16xi32>], vector<16xf32>,
      %add3A_207 = arith.addf %parallel_loop3A_141#4, %gather3A_202 : vector<16xf32>
      %max3A_208 = arith.constant 0.000000e+00 : f32
      %max3A_209 = vector.broadcast %max3A_208 : f32 to vector<16xf32>
      %max3A_210 = arith.maximumf %add3A_207, %max3A_209 : vector<16xf32>
      %mul3A_211 = arith.mulf %gather3A_206, %max3A_210 : vector<16xf32>
      %add3A_212 = arith.addf %add3A_198, %mul3A_211 : vector<16xf32>
      %add3A_213 = arith.constant 8 : i32
      %add3A_214 = vector.broadcast %add3A_213 : i32 to vector<16xi32>
      %add3A_215 = arith.addi %and3A_37, %add3A_214 : vector<16xi32>
      %gather3A_216 = tpu.vector_load_idx %arg9[%add3A_215] : memref<48xf32, #tpu.memory_space<vmem>>[vector<16xi32>], vector<16xf32>,
      %add3A_217 = arith.constant 24 : i32
      %add3A_218 = vector.broadcast %add3A_217 : i32 to vector<16xi32>
      %add3A_219 = arith.addi %and3A_37, %add3A_218 : vector<16xi32>
      %gather3A_220 = tpu.vector_load_idx %arg9[%add3A_219] : memref<48xf32, #tpu.memory_space<vmem>>[vector<16xi32>], vector<16xf32>,
      %add3A_221 = arith.addf %parallel_loop3A_141#5, %gather3A_216 : vector<16xf32>
      %max3A_222 = arith.constant 0.000000e+00 : f32
      %max3A_223 = vector.broadcast %max3A_222 : f32 to vector<16xf32>
      %max3A_224 = arith.maximumf %add3A_221, %max3A_223 : vector<16xf32>
      %mul3A_225 = arith.mulf %gather3A_220, %max3A_224 : vector<16xf32>
      %add3A_226 = arith.addf %add3A_212, %mul3A_225 : vector<16xf32>
      %add3A_227 = arith.constant 8 : i32
      %add3A_228 = vector.broadcast %add3A_227 : i32 to vector<16xi32>
      %add3A_229 = arith.addi %and3A_43, %add3A_228 : vector<16xi32>
      %gather3A_230 = tpu.vector_load_idx %arg9[%add3A_229] : memref<48xf32, #tpu.memory_space<vmem>>[vector<16xi32>], vector<16xf32>,
      %add3A_231 = arith.constant 24 : i32
      %add3A_232 = vector.broadcast %add3A_231 : i32 to vector<16xi32>
      %add3A_233 = arith.addi %and3A_43, %add3A_232 : vector<16xi32>
      %gather3A_234 = tpu.vector_load_idx %arg9[%add3A_233] : memref<48xf32, #tpu.memory_space<vmem>>[vector<16xi32>], vector<16xf32>,
      %add3A_235 = arith.addf %parallel_loop3A_141#6, %gather3A_230 : vector<16xf32>
      %max3A_236 = arith.constant 0.000000e+00 : f32
      %max3A_237 = vector.broadcast %max3A_236 : f32 to vector<16xf32>
      %max3A_238 = arith.maximumf %add3A_235, %max3A_237 : vector<16xf32>
      %mul3A_239 = arith.mulf %gather3A_234, %max3A_238 : vector<16xf32>
      %add3A_240 = arith.addf %add3A_226, %mul3A_239 : vector<16xf32>
      %add3A_241 = arith.constant 8 : i32
      %add3A_242 = vector.broadcast %add3A_241 : i32 to vector<16xi32>
      %add3A_243 = arith.addi %and3A_49, %add3A_242 : vector<16xi32>
      %gather3A_244 = tpu.vector_load_idx %arg9[%add3A_243] : memref<48xf32, #tpu.memory_space<vmem>>[vector<16xi32>], vector<16xf32>,
      %add3A_245 = arith.constant 24 : i32
      %add3A_246 = vector.broadcast %add3A_245 : i32 to vector<16xi32>
      %add3A_247 = arith.addi %and3A_49, %add3A_246 : vector<16xi32>
      %gather3A_248 = tpu.vector_load_idx %arg9[%add3A_247] : memref<48xf32, #tpu.memory_space<vmem>>[vector<16xi32>], vector<16xf32>,
      %add3A_249 = arith.addf %parallel_loop3A_141#7, %gather3A_244 : vector<16xf32>
      %max3A_250 = arith.constant 0.000000e+00 : f32
      %max3A_251 = vector.broadcast %max3A_250 : f32 to vector<16xf32>
      %max3A_252 = arith.maximumf %add3A_249, %max3A_251 : vector<16xf32>
      %mul3A_253 = arith.mulf %gather3A_248, %max3A_252 : vector<16xf32>
      %add3A_254 = arith.addf %add3A_240, %mul3A_253 : vector<16xf32>
      %add3A_255 = arith.constant 8 : i32
      %add3A_256 = vector.broadcast %add3A_255 : i32 to vector<16xi32>
      %add3A_257 = arith.addi %and3A_55, %add3A_256 : vector<16xi32>
      %gather3A_258 = tpu.vector_load_idx %arg9[%add3A_257] : memref<48xf32, #tpu.memory_space<vmem>>[vector<16xi32>], vector<16xf32>,
      %add3A_259 = arith.constant 24 : i32
      %add3A_260 = vector.broadcast %add3A_259 : i32 to vector<16xi32>
      %add3A_261 = arith.addi %and3A_55, %add3A_260 : vector<16xi32>
      %gather3A_262 = tpu.vector_load_idx %arg9[%add3A_261] : memref<48xf32, #tpu.memory_space<vmem>>[vector<16xi32>], vector<16xf32>,
      %add3A_263 = arith.addf %parallel_loop3A_141#8, %gather3A_258 : vector<16xf32>
      %max3A_264 = arith.constant 0.000000e+00 : f32
      %max3A_265 = vector.broadcast %max3A_264 : f32 to vector<16xf32>
      %max3A_266 = arith.maximumf %add3A_263, %max3A_265 : vector<16xf32>
      %mul3A_267 = arith.mulf %gather3A_262, %max3A_266 : vector<16xf32>
      %add3A_268 = arith.addf %add3A_254, %mul3A_267 : vector<16xf32>
      %add3A_269 = arith.constant 8 : i32
      %add3A_270 = vector.broadcast %add3A_269 : i32 to vector<16xi32>
      %add3A_271 = arith.addi %and3A_61, %add3A_270 : vector<16xi32>
      %gather3A_272 = tpu.vector_load_idx %arg9[%add3A_271] : memref<48xf32, #tpu.memory_space<vmem>>[vector<16xi32>], vector<16xf32>,
      %add3A_273 = arith.constant 24 : i32
      %add3A_274 = vector.broadcast %add3A_273 : i32 to vector<16xi32>
      %add3A_275 = arith.addi %and3A_61, %add3A_274 : vector<16xi32>
      %gather3A_276 = tpu.vector_load_idx %arg9[%add3A_275] : memref<48xf32, #tpu.memory_space<vmem>>[vector<16xi32>], vector<16xf32>,
      %add3A_277 = arith.addf %parallel_loop3A_141#9, %gather3A_272 : vector<16xf32>
      %max3A_278 = arith.constant 0.000000e+00 : f32
      %max3A_279 = vector.broadcast %max3A_278 : f32 to vector<16xf32>
      %max3A_280 = arith.maximumf %add3A_277, %max3A_279 : vector<16xf32>
      %mul3A_281 = arith.mulf %gather3A_276, %max3A_280 : vector<16xf32>
      %add3A_282 = arith.addf %add3A_268, %mul3A_281 : vector<16xf32>
      %add3A_283 = arith.constant 8 : i32
      %add3A_284 = vector.broadcast %add3A_283 : i32 to vector<16xi32>
      %add3A_285 = arith.addi %and3A_67, %add3A_284 : vector<16xi32>
      %gather3A_286 = tpu.vector_load_idx %arg9[%add3A_285] : memref<48xf32, #tpu.memory_space<vmem>>[vector<16xi32>], vector<16xf32>,
      %add3A_287 = arith.constant 24 : i32
      %add3A_288 = vector.broadcast %add3A_287 : i32 to vector<16xi32>
      %add3A_289 = arith.addi %and3A_67, %add3A_288 : vector<16xi32>
      %gather3A_290 = tpu.vector_load_idx %arg9[%add3A_289] : memref<48xf32, #tpu.memory_space<vmem>>[vector<16xi32>], vector<16xf32>,
      %add3A_291 = arith.addf %parallel_loop3A_141#10, %gather3A_286 : vector<16xf32>
      %max3A_292 = arith.constant 0.000000e+00 : f32
      %max3A_293 = vector.broadcast %max3A_292 : f32 to vector<16xf32>
      %max3A_294 = arith.maximumf %add3A_291, %max3A_293 : vector<16xf32>
      %mul3A_295 = arith.mulf %gather3A_290, %max3A_294 : vector<16xf32>
      %add3A_296 = arith.addf %add3A_282, %mul3A_295 : vector<16xf32>
      %add3A_297 = arith.constant 8 : i32
      %add3A_298 = vector.broadcast %add3A_297 : i32 to vector<16xi32>
      %add3A_299 = arith.addi %and3A_73, %add3A_298 : vector<16xi32>
      %gather3A_300 = tpu.vector_load_idx %arg9[%add3A_299] : memref<48xf32, #tpu.memory_space<vmem>>[vector<16xi32>], vector<16xf32>,
      %add3A_301 = arith.constant 24 : i32
      %add3A_302 = vector.broadcast %add3A_301 : i32 to vector<16xi32>
      %add3A_303 = arith.addi %and3A_73, %add3A_302 : vector<16xi32>
      %gather3A_304 = tpu.vector_load_idx %arg9[%add3A_303] : memref<48xf32, #tpu.memory_space<vmem>>[vector<16xi32>], vector<16xf32>,
      %add3A_305 = arith.addf %parallel_loop3A_141#11, %gather3A_300 : vector<16xf32>
      %max3A_306 = arith.constant 0.000000e+00 : f32
      %max3A_307 = vector.broadcast %max3A_306 : f32 to vector<16xf32>
      %max3A_308 = arith.maximumf %add3A_305, %max3A_307 : vector<16xf32>
      %mul3A_309 = arith.mulf %gather3A_304, %max3A_308 : vector<16xf32>
      %add3A_310 = arith.addf %add3A_296, %mul3A_309 : vector<16xf32>
      %add3A_311 = arith.constant 8 : i32
      %add3A_312 = vector.broadcast %add3A_311 : i32 to vector<16xi32>
      %add3A_313 = arith.addi %and3A_79, %add3A_312 : vector<16xi32>
      %gather3A_314 = tpu.vector_load_idx %arg9[%add3A_313] : memref<48xf32, #tpu.memory_space<vmem>>[vector<16xi32>], vector<16xf32>,
      %add3A_315 = arith.constant 24 : i32
      %add3A_316 = vector.broadcast %add3A_315 : i32 to vector<16xi32>
      %add3A_317 = arith.addi %and3A_79, %add3A_316 : vector<16xi32>
      %gather3A_318 = tpu.vector_load_idx %arg9[%add3A_317] : memref<48xf32, #tpu.memory_space<vmem>>[vector<16xi32>], vector<16xf32>,
      %add3A_319 = arith.addf %parallel_loop3A_141#12, %gather3A_314 : vector<16xf32>
      %max3A_320 = arith.constant 0.000000e+00 : f32
      %max3A_321 = vector.broadcast %max3A_320 : f32 to vector<16xf32>
      %max3A_322 = arith.maximumf %add3A_319, %max3A_321 : vector<16xf32>
      %mul3A_323 = arith.mulf %gather3A_318, %max3A_322 : vector<16xf32>
      %add3A_324 = arith.addf %add3A_310, %mul3A_323 : vector<16xf32>
      %add3A_325 = arith.constant 8 : i32
      %add3A_326 = vector.broadcast %add3A_325 : i32 to vector<16xi32>
      %add3A_327 = arith.addi %and3A_85, %add3A_326 : vector<16xi32>
      %gather3A_328 = tpu.vector_load_idx %arg9[%add3A_327] : memref<48xf32, #tpu.memory_space<vmem>>[vector<16xi32>], vector<16xf32>,
      %add3A_329 = arith.constant 24 : i32
      %add3A_330 = vector.broadcast %add3A_329 : i32 to vector<16xi32>
      %add3A_331 = arith.addi %and3A_85, %add3A_330 : vector<16xi32>
      %gather3A_332 = tpu.vector_load_idx %arg9[%add3A_331] : memref<48xf32, #tpu.memory_space<vmem>>[vector<16xi32>], vector<16xf32>,
      %add3A_333 = arith.addf %parallel_loop3A_141#13, %gather3A_328 : vector<16xf32>
      %max3A_334 = arith.constant 0.000000e+00 : f32
      %max3A_335 = vector.broadcast %max3A_334 : f32 to vector<16xf32>
      %max3A_336 = arith.maximumf %add3A_333, %max3A_335 : vector<16xf32>
      %mul3A_337 = arith.mulf %gather3A_332, %max3A_336 : vector<16xf32>
      %add3A_338 = arith.addf %add3A_324, %mul3A_337 : vector<16xf32>
      %add3A_339 = arith.constant 8 : i32
      %add3A_340 = vector.broadcast %add3A_339 : i32 to vector<16xi32>
      %add3A_341 = arith.addi %and3A_91, %add3A_340 : vector<16xi32>
      %gather3A_342 = tpu.vector_load_idx %arg9[%add3A_341] : memref<48xf32, #tpu.memory_space<vmem>>[vector<16xi32>], vector<16xf32>,
      %add3A_343 = arith.constant 24 : i32
      %add3A_344 = vector.broadcast %add3A_343 : i32 to vector<16xi32>
      %add3A_345 = arith.addi %and3A_91, %add3A_344 : vector<16xi32>
      %gather3A_346 = tpu.vector_load_idx %arg9[%add3A_345] : memref<48xf32, #tpu.memory_space<vmem>>[vector<16xi32>], vector<16xf32>,
      %add3A_347 = arith.addf %parallel_loop3A_141#14, %gather3A_342 : vector<16xf32>
      %max3A_348 = arith.constant 0.000000e+00 : f32
      %max3A_349 = vector.broadcast %max3A_348 : f32 to vector<16xf32>
      %max3A_350 = arith.maximumf %add3A_347, %max3A_349 : vector<16xf32>
      %mul3A_351 = arith.mulf %gather3A_346, %max3A_350 : vector<16xf32>
      %add3A_352 = arith.addf %add3A_338, %mul3A_351 : vector<16xf32>
      %add3A_353 = arith.constant 8 : i32
      %add3A_354 = vector.broadcast %add3A_353 : i32 to vector<16xi32>
      %add3A_355 = arith.addi %and3A_97, %add3A_354 : vector<16xi32>
      %gather3A_356 = tpu.vector_load_idx %arg9[%add3A_355] : memref<48xf32, #tpu.memory_space<vmem>>[vector<16xi32>], vector<16xf32>,
      %add3A_357 = arith.constant 24 : i32
      %add3A_358 = vector.broadcast %add3A_357 : i32 to vector<16xi32>
      %add3A_359 = arith.addi %and3A_97, %add3A_358 : vector<16xi32>
      %gather3A_360 = tpu.vector_load_idx %arg9[%add3A_359] : memref<48xf32, #tpu.memory_space<vmem>>[vector<16xi32>], vector<16xf32>,
      %add3A_361 = arith.addf %parallel_loop3A_141#15, %gather3A_356 : vector<16xf32>
      %max3A_362 = arith.constant 0.000000e+00 : f32
      %max3A_363 = vector.broadcast %max3A_362 : f32 to vector<16xf32>
      %max3A_364 = arith.maximumf %add3A_361, %max3A_363 : vector<16xf32>
      %mul3A_365 = arith.mulf %gather3A_360, %max3A_364 : vector<16xf32>
      %add3A_366 = arith.addf %add3A_352, %mul3A_365 : vector<16xf32>
      %neg3A = arith.constant 0.000000e+00 : f32
      %neg3A_367 = vector.broadcast %neg3A : f32 to vector<16xf32>
      %neg3A_368 = arith.subf %neg3A_367, %add3A_366 : vector<16xf32>
      %exp3A = math.exp %neg3A_368 : vector<16xf32>
      %add3A_369 = arith.constant 1.000000e+00 : f32
      %add3A_370 = vector.broadcast %add3A_369 : f32 to vector<16xf32>
      %add3A_371 = arith.addf %add3A_370, %exp3A : vector<16xf32>
      %div3A = arith.constant 1.000000e+00 : f32
      %div3A_372 = vector.broadcast %div3A : f32 to vector<16xf32>
      %div3A_373 = arith.divf %div3A_372, %add3A_371 : vector<16xf32>
      %mul3A_374 = arith.constant 16 : i32
      %mul3A_375 = arith.muli %scan3A_103, %mul3A_374 : i32
      %swap3A = arith.index_cast %mul3A_375 : i32 to index
      %swap3A_376 = tpu.vector_load %arg8[%swap3A] {strides = array<i32>} : memref<512xf32, #tpu.memory_space<vmem>>, vector<16xf32>,
      tpu.vector_store %arg8[%swap3A], %div3A_373 {strides = array<i32>} : memref<512xf32, #tpu.memory_space<vmem>>, vector<16xf32>,
    }
    %scan3A_102 = arith.constant 32 : i32
    "tpu.region"() ({
      %run_scoped3A = tpu.sem_alloc : memref<!tpu.dma_semaphore, #tpu.memory_space<semaphore_mem>>
      %dma_start3A = tpu.memref_slice %arg5[%mul3A_2] : memref<16384xf32, #tpu.memory_space<hbm>> -> memref<512xf32, #tpu.memory_space<hbm>>
      %dma_start3A_103 = tpu.memref_slice %arg5[%mul3A_2] : memref<16384xf32, #tpu.memory_space<hbm>> -> memref<512xf32, #tpu.memory_space<hbm>>
      tpu.enqueue_dma source(%arg8 : memref<512xf32, #tpu.memory_space<vmem>>) target(%dma_start3A_103 : memref<512xf32, #tpu.memory_space<hbm>>) target_semaphore(%run_scoped3A : memref<!tpu.dma_semaphore, #tpu.memory_space<semaphore_mem>>)
      %dma_wait3A = tpu.memref_slice %arg5[%mul3A_2] : memref<16384xf32, #tpu.memory_space<hbm>> -> memref<512xf32, #tpu.memory_space<hbm>>
      %dma_wait3A_104 = tpu.memref_slice %arg5[%mul3A_2] : memref<16384xf32, #tpu.memory_space<hbm>> -> memref<512xf32, #tpu.memory_space<hbm>>
      tpu.wait_dma2 semaphore(%run_scoped3A : memref<!tpu.dma_semaphore, #tpu.memory_space<semaphore_mem>>) src(%arg8 : memref<512xf32, #tpu.memory_space<vmem>>) dst(%dma_wait3A_104 : memref<512xf32, #tpu.memory_space<hbm>>)
      tpu.yield
    }) : () -> ()
    return
  }
}

module attributes {stable_mosaic.version = 14 : i64} {
  func.func @_ptable_body(%arg0: memref<1024x32xf32, #tpu.memory_space<vmem>>, %arg1: memref<32x16xf32, #tpu.memory_space<vmem>>, %arg2: memref<1024x16xf32, #tpu.memory_space<vmem>>) attributes {dimension_semantics = [], scalar_prefetch = 0 : i64, scratch_operands = 0 : i64, tpu.core_type = #tpu.core_type<tc>} {
    %get3A = arith.constant 0 : index
    %get3A_0 = arith.constant 0 : index
    %get3A_1 = vector.load %arg0[%get3A, %get3A_0] : memref<1024x32xf32, #tpu.memory_space<vmem>>, vector<1024x32xf32>
    %get3A_2 = arith.constant 0 : index
    %get3A_3 = arith.constant 0 : index
    %get3A_4 = vector.load %arg1[%get3A_2, %get3A_3] : memref<32x16xf32, #tpu.memory_space<vmem>>, vector<32x16xf32>
    %dot_general3A = arith.constant dense<0.000000e+00> : vector<1024x16xf32>
    %dot_general3A_5 = tpu.matmul %get3A_1, %get3A_4, %dot_general3A {dimension_numbers = #tpu.dot_dimension_numbers<[1], [0], [0], [1], [0, 0, 1, 1], [], []>, transpose_lhs_hint = false} : vector<1024x32xf32>, vector<32x16xf32>, vector<1024x16xf32> -> vector<1024x16xf32>
    %mul3A = arith.constant 5.000000e-03 : f32
    %mul3A_6 = vector.broadcast %mul3A : f32 to vector<1024x16xf32>
    %mul3A_7 = arith.mulf %dot_general3A_5, %mul3A_6 : vector<1024x16xf32>
    %swap3A = arith.constant 0 : index
    %swap3A_8 = arith.constant 0 : index
    %swap3A_9 = vector.load %arg2[%swap3A, %swap3A_8] : memref<1024x16xf32, #tpu.memory_space<vmem>>, vector<1024x16xf32>
    tpu.vector_store %arg2[%swap3A, %swap3A_8], %mul3A_7 {strides = array<i32>} : memref<1024x16xf32, #tpu.memory_space<vmem>>, vector<1024x16xf32>,
    return
  }
}

</mosaic_0001>

<sc_bundles>
// kernel: kernel.4.cloned.1.call-start
scs
__scs_entry_jumppad:
0x0: {  	(pc) =	sbr.rel $0x88, $3  }
0x1: {  	(tag) =	ssettag $0x0;
	lr =	simm.s32 $0x1  }
0x2: {  	[smem:$0x3F9B] =	sst lr;
	_ =	strace $0xD0000000  }
0x3: {  	_ = 	snop  }
0x4: {  	_ = 	snop  }
0x5: {  	_ = 	snop  }
0x6: {  	_ = 	snop  }
0x7: {  	_ = 	snop  }
__scs_overlays_trampoline_lowered:
0x8: {  	[smem:$0x3FAA] =	sst s0  }
0x9: {  	[smem:$0x3FAB] =	sst s1  }
0xa: {  	[smem:$0x3FAC] =	sst s2  }
0xb: {  	[smem:$0x3FAD] =	sst s3  }
0xc: {  	[smem:$0x3FAE] =	sst s4  }
0xd: {  	[smem:$0x3FAF] =	sst s5  }
0xe: {  	[smem:$0x3FB0] =	sst s6  }
0xf: {  	[smem:$0x3FB1] =	sst s7  }
0x10: {  	[smem:$0x3FB2] =	sst s8  }
0x11: {  	[smem:$0x3FB3] =	sst s9;
	s0 =	simm.s32 @!p0 $0x0  }
0x12: {  	s1 =	sld [smem:$0x3F99];
	s0 =	simm.s32 @p0 $0x1  }
0x13: {  	[smem:$0x3FB4] =	sst s0;
	s0 =	simm.s32 @!p1 $0x0  }
0x14: {  	s2 =	sld [smem:$0x3F98];
	s0 =	simm.s32 @p1 $0x1  }
0x15: {  	[smem:$0x3FB5] =	sst s0;
	s0 =	simm.s32 @!p2 $0x0  }
0x16: {  	s3 =	sld [smem:$0x3FDB];
	s0 =	simm.s32 @p2 $0x1  }
0x17: {  	s4 =	simm.s32 $0x1BF5;
	[smem:$0x3FB7] =	sst s0  }
0x18: {  	s0 =	sld [smem:$0x3F9A];
	_ =	swait.ge [sflag:s4], $0x0  }
0x19: {  	s7 =	sld [smem:$0x3F9B]  }
0x1a: {  	s8 =	sadd.s32 $0xFFFFE003, lr  }
0x1b: {  	s9 =	sadd.s32 $0xFFFFFEF7, lr;
	s5 =	simm.s32 $0xFFFFFFFF;
	p2 =	slt.u32 s8, $0xFFFFF086  }
0x1c: {  	p1 =	slt.u32 s9, $0xF7A;
	s5 =	simm.s32 @!p2 $0x0  }
0x1d: {  	s5 =	simm.s32 @p1 $0x1;
	p0 =	seq.s32 s7, s2  }
0x1e: {  	s7 =	smul.u32 @!p0 $0xF7A, s2;
	p2 =	seq.s32 @!p0 s5, $0x0  }
0x1f: {  	s9 =	smul.u32 $0xF7A, s1;
	s8 =	simm.s32 @!p0 $0x1BF5;
	p2 =	por !p2, p0  }
0x20: {  	[sflag:s8] =	ssyncset.s32 @!p0 $0xFFFFF086;
	s6 =	sadd.s32 @!p0 s3, s7;
	s7 =	simm.s32 @!p0 $0x108  }
0x21: {  	s3 =	sadd.s32 s3, s9;
	s6 =	sadd.s32 @!p0 $0x88, s6;
	s7 =	simm.s32 @p2 $0x1082  }
0x22: {  	[simem:s7], [sflag:s8] =	dma.local @!p0 [hbm:s6], $0xF7A  }
0x23: {  	s9 =	sor.u32 $0xD0000000, s2;
	s6 =	simm.s32 $0x108;
	_ =	swait.ge @!p0 [sflag:s8], $0x0  }
0x24: {  	s3 =	sadd.s32 $0x88, s3;
	s6 =	simm.s32 @!p1 $0x1082;
	[sflag:s4] =	ssyncset.s32 $0xFFFFF086  }
0x25: {  	[simem:s6], [sflag:s4] =	dma.local [hbm:s3], $0xF7A  }
0x26: {  	[smem:$0x3F9B] =	sst s1;
	(tag) =	ssettag s2;
	_ =	strace s9  }
0x27: {  	s1 =	sld [smem:$0x3FAB]  }
0x28: {  	s2 =	sld [smem:$0x3FAC]  }
0x29: {  	s4 =	sld [smem:$0x3FAE]  }
0x2a: {  	p0 =	seq.s32 s5, $0x0;
	s5 =	sld [smem:$0x3FAF]  }
0x2b: {  	s6 =	sld [smem:$0x3FB0]  }
0x2c: {  	s7 =	sld [smem:$0x3FB1]  }
0x2d: {  	s3 =	simm.s32 $0x108;
	s8 =	sld [smem:$0x3FB2]  }
0x2e: {  	s3 =	simm.s32 @!p0 $0x1082;
	s9 =	sld [smem:$0x3FB3]  }
0x2f: {  	lr =	sadd.s32 s0, s3;
	s0 =	sld [smem:$0x3FAA]  }
0x30: {  	s3 =	sld [smem:$0x3FAD]  }
0x31: {  	[smem:$0x3FB6] =	sst s10  }
0x32: {  	s10 =	sld [smem:$0x3FB4];
	_ =	sdelay $0x3  }
0x33: {  	p0 =	seq.s32 s10, $0x1;
	s10 =	sld [smem:$0x3FB6];
	_ =	sdelay $0x3  }
0x34: {  	[smem:$0x3FB6] =	sst s10  }
0x35: {  	s10 =	sld [smem:$0x3FB5];
	_ =	sdelay $0x3  }
0x36: {  	p1 =	seq.s32 s10, $0x1;
	s10 =	sld [smem:$0x3FB6];
	_ =	sdelay $0x3  }
0x37: {  	[smem:$0x3FB6] =	sst s10  }
0x38: {  	s10 =	sld [smem:$0x3FB7]  }
0x39: {  	_ = 	snop;
	(pc) =	sbr.ind lr, $3  }
0x3a: {  	_ = 	snop  }
0x3b: {  	_ = 	snop  }
0x3c: {  	p2 =	seq.s32 s10, $0x1;
	s10 =	sld [smem:$0x3FB6]  }
0x3d: {  	_ =	shalt  }
0x3e: {  	_ =	shalt  }
0x3f: {  	_ =	shalt  }
0x40: {  	_ =	shalt  }
0x41: {  	_ =	shalt  }
0x42: {  	_ =	shalt  }
0x43: {  	_ =	shalt  }
0x44: {  	_ =	shalt  }
0x45: {  	_ =	shalt  }
0x46: {  	_ =	shalt  }
0x47: {  	_ =	shalt  }
0x48: {  	_ =	shalt  }
0x49: {  	_ =	shalt  }
0x4a: {  	_ =	shalt  }
0x4b: {  	_ =	shalt  }
0x4c: {  	_ =	shalt  }
0x4d: {  	_ =	shalt  }
0x4e: {  	_ =	shalt  }
0x4f: {  	_ =	shalt  }
0x50: {  	_ =	shalt  }
0x51: {  	_ =	shalt  }
0x52: {  	_ =	shalt  }
0x53: {  	_ =	shalt  }
0x54: {  	_ =	shalt  }
0x55: {  	_ =	shalt  }
0x56: {  	_ =	shalt  }
0x57: {  	_ =	shalt  }
0x58: {  	_ =	shalt  }
0x59: {  	_ =	shalt  }
0x5a: {  	_ =	shalt  }
0x5b: {  	_ =	shalt  }
0x5c: {  	_ =	shalt  }
0x5d: {  	_ =	shalt  }
0x5e: {  	_ =	shalt  }
0x5f: {  	_ =	shalt  }
0x60: {  	_ =	shalt  }
0x61: {  	_ =	shalt  }
0x62: {  	_ =	shalt  }
0x63: {  	_ =	shalt  }
0x64: {  	_ =	shalt  }
0x65: {  	_ =	shalt  }
0x66: {  	_ =	shalt  }
0x67: {  	_ =	shalt  }
0x68: {  	_ =	shalt  }
0x69: {  	_ =	shalt  }
0x6a: {  	_ =	shalt  }
0x6b: {  	_ =	shalt  }
0x6c: {  	_ =	shalt  }
0x6d: {  	_ =	shalt  }
0x6e: {  	_ =	shalt  }
0x6f: {  	_ =	shalt  }
0x70: {  	_ =	shalt  }
0x71: {  	_ =	shalt  }
0x72: {  	_ =	shalt  }
0x73: {  	_ =	shalt  }
0x74: {  	_ =	shalt  }
0x75: {  	_ =	shalt  }
0x76: {  	_ =	shalt  }
0x77: {  	_ =	shalt  }
0x78: {  	_ =	shalt  }
0x79: {  	_ =	shalt  }
0x7a: {  	_ =	shalt  }
0x7b: {  	_ =	shalt  }
0x7c: {  	_ =	shalt  }
0x7d: {  	_ =	shalt  }
0x7e: {  	_ =	shalt  }
0x7f: {  	_ =	shalt  }
0x80: {  	_ =	shalt  }
0x81: {  	_ =	shalt  }
0x82: {  	_ =	shalt  }
0x83: {  	_ =	shalt  }
0x84: {  	_ =	shalt  }
0x85: {  	_ =	shalt  }
0x86: {  	_ =	shalt  }
0x87: {  	_ =	shalt  }
.Lfunc_end0:
.L_simem_size_0:
called_computation_lowered:
.L_overlay_start_0:
0x88: {  	s2 =	sld [smem:$0x3FD9]  }
0x89: {  	s3 =	sld [smem:$0x3FFE];
	_ =	sdelay $0x1  }
0x8a: {  	s1 =	srdreg.scid  }
0x8b: {  	s0 =	sand.u32 $0x1, s1  }
0x8c: {  	s17 =	sshll.u32 s0, $0xA;
	s2 =	sadd.s32 s3, s2  }
0x8d: {  	s2 =	sadd.s32 s2, s17  }
0x8e: {  	[smem:$0x3FC2] =	sst s2  }
0x8f: {  	_ = 	snop  }
0x90: {  	s2 =	sld [smem:$0x3FD0];
	(tm) =	ssettm $0x1  }
0x91: {  	s18 =	sld [smem:$0x3FFB];
	_ =	sdelay $0x3  }
0x92: {  	_ =	strace s18  }
0x93: {  	s3 =	sld [smem:$0x3FFC];
	_ =	sdelay $0x3  }
0x94: {  	_ =	strace s3  }
0x95: {  	s3 =	sld [smem:$0x3FFD];
	_ =	sdelay $0x3  }
0x96: {  	_ =	strace s3  }
0x97: {  	_ =	strace $0x8FFFFFFF  }
0x98: {  	s19 =	sld [smem:$0x3FDB];
	_ =	sdelay $0x1  }
0x99: {  	s4 =	simm.s32 $_scs_section_size  }
0x9a: {  	s5 =	simm.s32 $_size__tile_overlayer_lowered;
	s6 =	simm.s32 $_tile_overlayer_lowered  }
0x9b: {  	s22 =	simm.s32 $0x1BFF;
	s21 =	sshll.u32 s6, $0x1;
	s3 =	sadd.s32 s4, s19  }
0x9c: {  	s7 =	simm.s32 $0x0;
	s20 =	sshll.u32 s5, $0x1;
	s5 =	sadd.s32 s21, s3  }
0x9d: {  	[timem:s7], [sflag:s22] =	dma.local [hbm:s5], s20  }
0x9e: {  	_ =	swait.ge [sflag:s22], s20  }
0x9f: {  	s4 =	ssub.s32 $0x0, s20;
	[sflag:s22] =	ssyncset.done $0x0  }
0xa0: {  	[sflag:s22] =	ssyncadd.s32 s4;
	_ =	sdelay $0x1  }
0xa1: {  	s23 =	simm.s32 $0x1B8B  }
0xa2: {  	_ =	swait.ge [sflag:s23], $0x1  }
0xa3: {  	[sflag:s23] =	ssyncset.done $0x0  }
0xa4: {  	s25 =	simm.s32 $0x1B8E;
	s24 =	sld [smem:$0x3FFE];
	[sflag:s23] =	ssyncadd.s32 $0xFFFFFFFF  }
0xa5: {  	s26 =	simm.s32 $execute0_lowered;
	[smem:$0x3FD2] =	sst s25  }
0xa6: {  	s5 =	sshll.u32 s26, $0x1;
	_ =	strace $0x80000046;
	[dreg:$0x1] =	wrdreg $0xFFFFFFFF  }
0xa7: {  	s28 =	simm.s32 $_size_execute0_lowered;
	s3 =	sadd.s32 s3, s5;
	[dreg:$0x0] =	wrdreg $0x0  }
0xa8: {  	s5 =	sshll.u32 s28, $0x1;
	[dreg:$0x2] =	wrdreg s3  }
0xa9: {  	[dreg:$0x3] =	wrdreg s5  }
0xaa: {  	[dreg:$0x4] =	wrdreg $0xC0  }
0xab: {  	_ =	task [dreg:s7], $0x5FFFF  }
0xac: {  	[dreg:$0x1] =	wrdreg $0xFFFFFFFF  }
0xad: {  	[dreg:$0x0] =	wrdreg $0x60  }
0xae: {  	[dreg:$0x2] =	wrdreg s24  }
0xaf: {  	[dreg:$0x3] =	wrdreg s2  }
0xb0: {  	[dreg:$0x4] =	wrdreg $0x9  }
0xb1: {  	_ =	task.clear_ibuf [dreg:s7], $0x5FFFF;
	_ =	strace $0x90000046  }
0xb2: {  	s29 =	simm.s32 $0x9;
	_ =	strace $0x80000048  }
0xb3: {  	_ =	swait.ge [sflag:s29], $0x1  }
0xb4: {  	[sflag:s29] =	ssyncadd.s32 $0xFFFFFFFF  }
0xb5: {  	_ =	strace $0x90000048  }
0xb6: {  	_ =	sfence  }
0xb7: {  	s30 =	sld [smem:$0x0];
	_ =	sdelay $0x2  }
0xb8: {  	s31 =	sshll.u32 s1, $0xD;
	s1 =	sshrl.u32 s1, $0x2  }
0xb9: {  	s3 =	sand.u32 $0x4000, s31;
	s1 =	sadd.s32 s1, s30  }
0xba: {  	s0 =	sor.u32 s3, s0;
	s1 =	sshll.u32 s1, $0x11  }
0xbb: {  	s0 =	sor.u32 s1, s0  }
0xbc: {  	s0 =	sadd.s32 $0x8F2B, s0  }
0xbd: {  	[sflag:s0] =	ssyncadd.remote.s32 $0x1  }
0xbe: {  	_ =	sfence.sel $0xFFFF  }
0xbf: {  	[dreg:$0x0] =	wrdreg $0xFFFFFFFF;
	(pc) =	sbr.abs _section_cstart, $3  }
0xc0: {  	[dreg:$0x1] =	wrdreg $0xFFFFFFFF  }
0xc1: {  	_ =	task.clear_ibuf [dreg:s7], $0x2FFFF;
	_ =	strace $0x9FFFFFFF  }
0xc2: {  	(tm) =	ssettm $0x7FFFFFFF  }
0xc3: {  	_ =	shalt  }
tec
execute0_lowered:
.L_overlay_start_1:
0x0: {  	(tag) =	ssettag $0x1  }
0x1: {  	v0 =	vimm.s32 $0xFEDCBA9  }
0x2: {  	v1 =	vimm.s32 $0x87654321;
	v47 =	vlaneseq.u32;
	v3 =	vimm.s32 $0x10FEDCBA  }
0x3: {  	v4 =	vimm.s32 $0x98765432;
	v5 =	vimm.s32 $0x210FEDCB;
	v6 =	vimm.s32 $0xA9876543  }
0x4: {  	v7 =	vimm.s32 $0xCBA98765;
	v17 =	vimm.s32 $0x6543210F;
	v18 =	vimm.s32 $0xFEDCBA98  }
0x5: {  	v19 =	vimm.s32 $0xEDCBA987;
	v20 =	vimm.s32 $0x76543210;
	v0 =	vunpack.c.l.s4.s8 v0  }
0x6: {  	v1 =	vunpack.c.l.s4.s8 v1;
	v2 =	vmul.u32 $0xD0, v47;
	v3 =	vunpack.c.l.s4.s8 v3  }
0x7: {  	v4 =	vunpack.c.l.s4.s8 v4;
	v5 =	vunpack.c.l.s4.s8 v5;
	v7 =	vunpack.c.l.s4.s8 v7  }
0x8: {  	v18 =	vunpack.c.l.s4.s8 v18;
	v17 =	vunpack.c.l.s4.s8 v17;
	v19 =	vunpack.c.l.s4.s8 v19  }
0x9: {  	v20 =	vunpack.c.l.s4.s8 v20;
	v10 =	vunpack.c.0.s8.s32 v3;
	v3 =	vunpack.c.l.s4.s8 v6  }
0xa: {  	v0 =	vunpack.c.0.s8.s32 v0;
	v1 =	vunpack.c.0.s8.s32 v1;
	v6 =	vunpack.c.0.s8.s32 v4  }
0xb: {  	v11 =	vunpack.c.0.s8.s32 v5;
	v4 =	vimm.s32 $0x3210FEDC;
	v12 =	vunpack.c.0.s8.s32 v3  }
0xc: {  	v5 =	vimm.s32 $0x43210FED;
	v3 =	vunpack.c.l.s4.s8 v4;
	v4 =	vimm.s32 $0xBA987654  }
0xd: {  	v16 =	vunpack.c.0.s8.s32 v7;
	v4 =	vunpack.c.l.s4.s8 v4;
	v9 =	vcombine.low v12, v11  }
0xe: {  	v7 =	vimm.s32 $0x543210FE;
	v17 =	vunpack.c.0.s8.s32 v17;
	v5 =	vunpack.c.l.s4.s8 v5  }
0xf: {  	v14 =	vunpack.c.0.s8.s32 v4;
	v4 =	vand.u32 $0xF, v9;
	v9 =	vimm.s32 $0xDCBA9876  }
0x10: {  	[tilespmem:$0x1FC40] =	vst v2;
	v7 =	vunpack.c.l.s4.s8 v7;
	v2 =	vcombine.low v1, v0;
	v9 =	vunpack.c.l.s4.s8 v9  }
0x11: {  	v8 =	vcombine.low v6, v10;
	v1 =	vcombine.low v0, v1;
	v15 =	vunpack.c.0.s8.s32 v5  }
0x12: {  	v21 =	vunpack.c.0.s8.s32 v7;
	v7 =	vunpack.c.0.s8.s32 v18;
	v22 =	vunpack.c.0.s8.s32 v9  }
0x13: {  	v18 =	vunpack.c.0.s8.s32 v19;
	v13 =	vunpack.c.0.s8.s32 v3;
	v3 =	vand.u32 $0xF, v8  }
0x14: {  	v8 =	vcombine.low v16, v15;
	v9 =	vunpack.c.0.s8.s32 v20;
	v19 =	vcombine.low v22, v21  }
0x15: {  	v6 =	vcombine.low v10, v6;
	v33 =	vand.u32 $0xF, v2;
	v2 =	vand.u32 $0xF, v7  }
0x16: {  	v7 =	vand.u32 $0xF, v8;
	v8 =	vcombine.low v2, v9;
	v9 =	vand.u32 $0xF, v19  }
0x17: {  	v19 =	vcombine.low v11, v12;
	v11 =	vand.u32 $0xF, v1;
	v1 =	vcombine.low v15, v16  }
0x18: {  	v10 =	vand.u32 $0xF, v6;
	v58 =	vcombine.low v18, v17  }
0x19: {  	v6 =	vcombine.low v17, v18;
	[tilespmem:$0x1FC50] =	vst v2;
	v15 =	vand.u32 $0xF, v1;
	v1 =	vadd.s32 $0x8, v47  }
0x1a: {  	vm0 =	vcmask $0x1B00;
	[tilespmem:$0x1FC70] =	vst v1;
	v1 =	vadd.s32 $0x18, v47  }
0x1b: {  	v17 =	vand.u32 $0xF, v6;
	v2 =	vand.u32 $0xF, v58;
	[tilespmem:$0x1FC80] =	vst v1;
	v1 =	vimm.s32 $0x10131211  }
0x1c: {  	[tilespmem:$0x1FC60] =	vst v2;
	v2 =	vand.u32 $0xF, v0;
	v0 =	vimm.s32 $0x14171615;
	v6 =	vunpack.c.0.s8.s32 v1  }
0x1d: {  	v0 =	vunpack.c.0.s8.s32 v0;
	v1 =	vnsel vm0, $0x8, v2;
	vm0 =	vcmask $0x2B1C  }
0x1e: {  	v1 =	vsel vm0, v6, v1;
	vm0 =	vcmask $0x3B2C  }
0x1f: {  	[tilespmem:$0x1FCA0] =	vst v6;
	v6 =	vimm.s32 $0xFEDCBA;
	v0 =	vsel vm0, v0, v1  }
0x20: {  	v5 =	vcombine.low v14, v13;
	v1 =	vunpack.c.l.s4.s8 v6;
	[tilespmem:$0x1FCB0] =	vst v0;
	v0 =	vimm.s32 $0x24232221  }
0x21: {  	[tilespmem:$0x1FC90] =	vst v2;
	v6 =	vimm.s32 $0x1C1B1A19;
	v2 =	vunpack.c.0.s8.s32 v0;
	v0 =	vimm.s32 $0x18272625  }
0x22: {  	v14 =	vcombine.low v13, v14;
	v13 =	vunpack.c.0.s8.s32 v0;
	v0 =	vunpack.c.0.s8.s32 v6  }
0x23: {  	v18 =	vimm.s32 $0x201F1E1D  }
0x24: {  	v1 =	vunpack.c.0.s8.s32 v1;
	[tilespmem:$0x1FCC0] =	vst v0;
	v0 =	vunpack.c.0.s8.s32 v18;
	_ =	sdelay $0x1  }
0x25: {  	[tilespmem:$0x1FCD0] =	vst v0;
	v0 =	vand.u32 $0xF, v1;
	v1 =	vimm.s32 $0x25242322  }
0x26: {  	[tilespmem:$0x1FCE0] =	vst v0;
	v0 =	vimm.s32 $0x11101312;
	v1 =	vunpack.c.0.s8.s32 v1  }
0x27: {  	v0 =	vunpack.c.0.s8.s32 v0  }
0x28: {  	v6 =	vimm.s32 $0x19182726;
	[tilespmem:$0x1FD10] =	vst v1  }
0x29: {  	v1 =	vunpack.c.0.s8.s32 v6;
	[tilespmem:$0x1FCF0] =	vst v0;
	v0 =	vimm.s32 $0x15141716  }
0x2a: {  	v0 =	vunpack.c.0.s8.s32 v0  }
0x2b: {  	[tilespmem:$0x1FD20] =	vst v1  }
0x2c: {  	v1 =	vimm.s32 $0x1D1C1B1A;
	[tilespmem:$0x1FD00] =	vst v0;
	v0 =	vimm.s32 $0xFEDCB  }
0x2d: {  	v1 =	vunpack.c.0.s8.s32 v1;
	v0 =	vunpack.c.l.s4.s8 v0  }
0x2e: {  	v6 =	vimm.s32 $0x21201F1E  }
0x2f: {  	[tilespmem:$0x1FD30] =	vst v1;
	v1 =	vunpack.c.0.s8.s32 v6;
	v0 =	vunpack.c.0.s8.s32 v0;
	_ =	sdelay $0x1  }
0x30: {  	[tilespmem:$0x1FD40] =	vst v1;
	v1 =	vimm.s32 $0x16151417;
	v59 =	vand.u32 $0xF, v0;
	v0 =	vimm.s32 $0x12111013  }
0x31: {  	v60 =	vunpack.c.0.s8.s32 v0;
	v0 =	vunpack.c.0.s8.s32 v1  }
0x32: {  	v1 =	vimm.s32 $0x1A191827  }
0x33: {  	v1 =	vunpack.c.0.s8.s32 v1;
	[tilespmem:$0x1FD50] =	vst v0;
	v0 =	vimm.s32 $0xA090800  }
0x34: {  	v0 =	vunpack.c.0.s8.s32 v0  }
0x35: {  	v6 =	vimm.s32 $0x1E1D1C1B;
	[tilespmem:$0x1FD80] =	vst v1  }
0x36: {  	v61 =	vimm.s32 $0x13121110;
	v1 =	vunpack.c.0.s8.s32 v6;
	[tilespmem:$0x1FD60] =	vst v0;
	v0 =	vimm.s32 $0x26252423  }
0x37: {  	v24 =	vunpack.c.0.s8.s32 v61;
	v0 =	vunpack.c.0.s8.s32 v0  }
0x38: {  	v12 =	vand.u32 $0xF, v19;
	v19 =	vimm.s32 $0xF0E0D0C;
	v18 =	vimm.s32 $0x17161514;
	[tilespmem:$0x1FD90] =	vst v1  }
0x39: {  	v23 =	vunpack.c.0.s8.s32 v18;
	v1 =	vimm.s32 $0x2221201F;
	[tilespmem:$0x1FD70] =	vst v0;
	v0 =	vimm.s32 $0xB0A0908  }
0x3a: {  	v18 =	vunpack.c.0.s8.s32 v19;
	v1 =	vunpack.c.0.s8.s32 v1;
	v0 =	vunpack.c.0.s8.s32 v0  }
0x3b: {  	vm1 =	vcmask $0x1F10  }
0x3c: {  	[tilespmem:$0x1FDA0] =	vst v1;
	v1 =	vsel vm1, v24, v18;
	v0 =	vsel vm1, v0, v23  }
0x3d: {  	v0 =	vcombine.low v1, v0;
	_ =	sdelay $0x1  }
0x3e: {  	[tilespmem:$0x1FDB0] =	vst v0;
	v0 =	vimm.s32 $0x27262524  }
0x3f: {  	v0 =	vunpack.c.0.s8.s32 v0  }
0x40: {  	v19 =	vimm.s32 $0x23222120;
	v1 =	vimm.s32 $0x1B1A1918  }
0x41: {  	v6 =	vimm.s32 $0x8171615;
	[tilespmem:$0x1FDC0] =	vst v0;
	v0 =	vunpack.c.0.s8.s32 v1;
	v1 =	vimm.s32 $0x1F1E1D1C  }
0x42: {  	v62 =	vunpack.c.0.s8.s32 v6;
	v6 =	vimm.s32 $0x100F0E0D;
	v1 =	vunpack.c.0.s8.s32 v1  }
0x43: {  	v6 =	vunpack.c.0.s8.s32 v6;
	v18 =	vimm.s32 $0x14131211;
	[tilespmem:$0x1FDD0] =	vst v0;
	v0 =	vimm.s32 $0xC0B0A09  }
0x44: {  	v18 =	vunpack.c.0.s8.s32 v18;
	v0 =	vunpack.c.0.s8.s32 v0;
	[tilespmem:$0x1FDE0] =	vst v1;
	v1 =	vunpack.c.0.s8.s32 v19  }
0x45: {  	v63 =	vimm.s32 $0x16151413  }
0x46: {  	v20 =	vunpack.c.0.s8.s32 v63;
	[tilespmem:$0x1FDF0] =	vst v1;
	v0 =	vsel vm1, v0, v62;
	v1 =	vsel vm1, v18, v6  }
0x47: {  	[tilespmem:$0x1FE10] =	vst v18;
	v6 =	vimm.s32 $0xD0C0B0A;
	v18 =	vimm.s32 $0x9081716;
	v0 =	vcombine.low v1, v0  }
0x48: {  	v25 =	vunpack.c.0.s8.s32 v18;
	v1 =	vimm.s32 $0x11100F0E;
	v18 =	vimm.s32 $0xE0D0C0B  }
0x49: {  	v1 =	vunpack.c.0.s8.s32 v1;
	[tilespmem:$0x1FE20] =	vst v0;
	v0 =	vunpack.c.0.s8.s32 v6;
	v6 =	vimm.s32 $0x15141312  }
0x4a: {  	[tilespmem:$0x1FE50] =	vst v20;
	v26 =	vunpack.c.0.s8.s32 v6;
	v6 =	vunpack.c.0.s8.s32 v18;
	v18 =	vimm.s32 $0xA090817  }
0x4b: {  	[tilespmem:$0x1FE90] =	vst v60;
	v19 =	vimm.s32 $0x1211100F;
	v27 =	vunpack.c.0.s8.s32 v18  }
0x4c: {  	[tilespmem:$0x1FE00] =	vst v62;
	v18 =	vunpack.c.0.s8.s32 v19;
	v0 =	vsel vm1, v0, v25;
	v1 =	vsel vm1, v26, v1  }
0x4d: {  	[tilespmem:$0x1FE30] =	vst v25;
	v0 =	vcombine.low v1, v0  }
0x4e: {  	[tilespmem:$0x1FE40] =	vst v26;
	v6 =	vsel vm1, v6, v27;
	v18 =	vsel vm1, v20, v18  }
0x4f: {  	s4 =	rddreg [dreg:$0x0];
	[tilespmem:$0x1FE60] =	vst v0;
	v0 =	vcombine.low v18, v6  }
0x50: {  	s6 =	rddreg [dreg:$0x1];
	s2 =	simm.s32 $0x0;
	[tilespmem:$0x1FE80] =	vst v27  }
0x51: {  	s1 =	srdreg.scid;
	[smem:$0x7FF] =	sst s2;
	[tilespmem:$0x1FE70] =	vst v0  }
0x52: {  	s5 =	sand.u32 $0x1, s1;
	s1 =	rddreg [dreg:$0x2];
	_ =	strace $0x80000047;
	[tilespmem:$0x1FEB0] =	vst v59  }
0x53: {  	[tilespmem:$0x1FED0] =	vst v23  }
0x54: {  	[tilespmem:$0x1FEE0] =	vst v24  }
0x55: {  	[tilespmem:$0x1FF20] =	vst v2  }
0x56: {  	[tilespmem:$0x1FF30] =	vst v13  }
0x57: {  	v19 =	vimm.s32 $0xEDCB000F;
	[tilespmem:$0x1FF50] =	vst v8  }
0x58: {  	v19 =	vunpack.c.l.s4.s8 v19;
	[tilespmem:$0x1FF60] =	vst v33  }
0x59: {  	vm2 =	vcmask $0x1700;
	vm3 =	vcmask $0x2718;
	vm4 =	vcmask $0x3728;
	[tilespmem:$0x1FF70] =	vst v9  }
0x5a: {  	vm7 =	vcmask $0x3324;
	vm8 =	vcmask $0x3F34;
	v6 =	vunpack.c.0.s8.s32 v19;
	[tilespmem:$0x1FF80] =	vst v3  }
0x5b: {  	vm11 =	vcmask $0x2310;
	v5 =	vand.u32 $0xF, v5;
	v1 =	vimm.s32 $0xBA98FEDC;
	[tilespmem:$0x1FF90] =	vst v4  }
0x5c: {  	v1 =	vunpack.c.l.s4.s8 v1;
	v18 =	vimm.s32 $0x16151400;
	v6 =	vand.u32 $0xF, v6;
	[tilespmem:$0x1FFA0] =	vst v5  }
0x5d: {  	v18 =	vunpack.c.0.s8.s32 v18;
	v0 =	vimm.s32 $0x12111000;
	v6 =	vsel vm11, v6, v27;
	[tilespmem:$0x1FFB0] =	vst v7  }
0x5e: {  	vm12 =	vcmask $0x1F14;
	v0 =	vunpack.c.0.s8.s32 v0;
	[tilespmem:$0x1FFC0] =	vst v10;
	v6 =	vsel vm7, v60, v6  }
0x5f: {  	v19 =	vimm.s32 $0xCBA90FED;
	v1 =	vunpack.c.0.s8.s32 v1;
	[tilespmem:$0x1FFD0] =	vst v12;
	v6 =	vsel vm8, v18, v6  }
0x60: {  	v19 =	vunpack.c.l.s4.s8 v19;
	v0 =	vsel vm12, v0, v59;
	[tilespmem:$0x1FEA0] =	vst v6;
	v6 =	vimm.s32 $0xDCBA00FE  }
0x61: {  	s0 =	stileid.u32;
	s10 =	simm.s32 $0x4000;
	v1 =	vand.u32 $0xF, v1;
	vm12 =	vcmask $0x2F10;
	[tilespmem:$0x1FEC0] =	vst v0;
	v0 =	vunpack.c.l.s4.s8 v6  }
0x62: {  	s11 =	simm.s32 $0x1E000;
	s7 =	sshll.u32 s0, $0x9;
	s3 =	sshll.u32 s5, $0xD;
	[tilespmem:$0x1FFE0] =	vst v15;
	v1 =	vsel vm12, v1, v23;
	vm12 =	vcmask $0x3F30;
	v6 =	vunpack.c.0.s8.s32 v19  }
0x63: {  	vm5 =	vcmask $0x3B38;
	s12 =	simm.s32 $0x0;
	s5 =	ssub.s32 $0x2, s5;
	s7 =	sor.u32 s7, s3;
	[tilespmem:$0x1FFF0] =	vst v17;
	v1 =	vsel vm12, v24, v1;
	v0 =	vunpack.c.0.s8.s32 v0  }
0x64: {  	vm6 =	vcmask $0x2314;
	vm9 =	vcmask $0xF00;
	s9 =	sshrl.u32 s5, $0x1;
	s8 =	smul.u32 $0x19, s7;
	s7 =	sshrl.u32 s7, $0x3;
	[tilespmem:$0x1FEF0] =	vst v1;
	v1 =	vand.u32 $0xF, v6  }
0x65: {  	vm10 =	vcmask $0x3B20;
	s3 =	sadd.s32 $0x64C00, s4;
	s9 =	ssub.s32 s5, s9;
	s6 =	sadd.s32 s6, s7;
	v16 =	vcombine.low v21, v22;
	[tilespmem:$0x1FF00] =	vst v1;
	v0 =	vand.u32 $0xF, v0  }
0x66: {  	vm13 =	vcmask $0x2710;
	s7 =	smax.u32 s9, $0x1;
	s9 =	simm.s32 $0x1E200;
	s8 =	sadd.s32 s8, s4;
	v14 =	vand.u32 $0xF, v14;
	[tilespmem:$0x1FF10] =	vst v0;
	v0 =	vsel vm1, v13, v2  }
0x67: {  	s4 =	sadd.s32 $0x65400, s4;
	s5 =	sadd.s32 $0xC00, s8;
	s8 =	simm.s32 $0x1;
	v16 =	vand.u32 $0xF, v16;
	vm11 =	vcmask $0x3720;
	vm12 =	vcmask $0x2B10;
	[tilespmem:$0x1FF40] =	vst v0  }
.LBB2_1:
0x68: {  	[tilespmem:s2], [sflag:$0x1] =	stream.linear.gather [hbm4b:s3+s2], $0x4000, $0x38;
	[tilespmem:$0x1E230] =	vst v63  }
0x69: {  	_ =	swait.ge [sflag:s8], $0x4000  }
0x6a: {  	s13 =	simm.s32 $0x19;
	s16 =	sadd.s32 $0x0, s5;
	[sflag:s8] =	ssyncset.done $0x0  }
0x6b: {  	s14 =	simm.s32 $0x40D0;
	s15 =	simm.s32 $0x4000;
	[sflag:s8] =	ssyncadd.s32 $0xFFFFC000  }
.LBB2_2:
0x6c: {  	[tilespmem:s15], [sflag:$0x1] =	stream.linear.gather [hbm4b:s16+s2], $0xC8, $0x38;
	[tilespmem:$0x1E230] =	vst v63  }
0x6d: {  	s16 =	smov.u32 s13;
	s15 =	smov.u32 s14;
	p0 =	sne.s32 s13, $0x31E7  }
.Ltmp0:
0x6e: {  	s13 =	sadd.s32 $0x19, s13;
	(pc) =	sbr.rel @p0 .LBB2_2-.Ltmp0, $2  }
0x6f: {  	_ =	sdelay $0x2  }
0x70: {  	s14 =	sadd.s32 $0xD0, s14;
	s16 =	sadd.s32 s16, s5  }
0x71: {  	[tilespmem:s15], [sflag:$0x1] =	stream.linear.gather [hbm4b:s16+s2], $0xC8, $0x38;
	[tilespmem:$0x1E230] =	vst v63  }
0x72: {  	_ =	swait.ge [sflag:s8], $0x19000  }
0x73: {  	[sflag:s8] =	ssyncset.done $0x0  }
0x74: {  	s13 =	simm.s32 $0x0;
	[sflag:s8] =	ssyncadd.s32 $0xFFFE7000  }
0x75: {  	[tilespmem:s9], [sflag:$0x1] =	stream.linear.gather [hbm4b:s4+s13], $0x30, $0x38;
	[tilespmem:$0x1E230] =	vst v63  }
0x76: {  	_ =	swait.ge [sflag:s8], $0x30  }
0x77: {  	[sflag:s8] =	ssyncset.done $0x0  }
0x78: {  	s14 =	simm.s32 $0x0;
	[sflag:s8] =	ssyncadd.s32 $0xFFFFFFD0  }
.LBB2_4:
0x79: {  	s15 =	sshll.u32 s14, $0x4  }
0x7a: {  	v2 =	vld [tilespmem:$0x1FC40];
	v0 =	vmov s15  }
0x7b: {  	v0 =	vmul.u32 $0xD0, v0;
	_ =	sdelay $0x1  }
0x7c: {  	s16 =	simm.s32 $0x1;
	v0 =	vbroadcast v0, $0x0  }
0x7d: {  	v1 =	vmov s16  }
0x7e: {  	v2 =	vadd.s32 v2, v0;
	v0 =	vand.u32 $0xF8, v1  }
0x7f: {  	v1 =	vand.u32 $0x5, v1;
	v0 =	vadd.s32 v2, v0  }
0x80: {  	v0 =	vor.u32 v1, v0;
	_ =	sdelay $0x3  }
0x81: {  	s30 =	simm.s32 $0x3  }
0x82: {  	v60 =	vmov s13;
	s31 =	simm.s32 $0x2;
	v1 =	vmov s30;
	v0 =	vld.idx.msk [tilespmem:v0+s10+$0x0], $0xffff  }
0x83: {  	v18 =	vand.u32 $0xF8, v60;
	v20 =	vmov s31;
	v6 =	vand.u32 $0xF8, v1  }
0x84: {  	v21 =	vand.u32 $0xF8, v20;
	v1 =	vand.u32 $0x7, v1;
	v6 =	vadd.s32 v2, v6  }
0x85: {  	v18 =	vadd.s32 v2, v18;
	v1 =	vor.u32 v1, v6;
	v6 =	vand.u32 $0x4, v60  }
0x86: {  	v21 =	vadd.s32 v2, v21;
	v6 =	vor.u32 v6, v18;
	v18 =	vand.u32 $0x6, v20  }
0x87: {  	v20 =	vor.u32 v18, v21;
	v18 =	vshll.u32 v0, $0x4  }
0x88: {  	v0 =	vor.u32 v11, v18;
	_ =	sdelay $0x2  }
0x89: {  	v13 =	vld [tilespmem:$0x1FC60];
	[tilespmem:$0x1FBA0] =	vst v2  }
0x8a: {  	v1 =	vld.idx.msk [tilespmem:v1+s10+$0x0], $0xffff  }
0x8b: {  	v0 =	vld.idx.msk [tilespmem:v0+s2+$0x0], $0xffff  }
0x8c: {  	v21 =	vor.u32 v16, v18;
	_ =	sdelay $0x2  }
0x8d: {  	v6 =	vld.idx.msk [tilespmem:v6+s10+$0x0], $0xffff  }
0x8e: {  	v20 =	vld.idx.msk [tilespmem:v20+s10+$0x0], $0xffff;
	v27 =	vshll.u32 v1, $0x4;
	[tilespmem:$0x1FBB0] =	vst v0;
	v0 =	vor.u32 v13, v18  }
0x8f: {  	v19 =	vld.idx.msk [tilespmem:v21+s2+$0x0], $0xffff;
	v21 =	vor.u32 v13, v27  }
0x90: {  	v23 =	vor.u32 v17, v18;
	_ =	sdelay $0x1  }
0x91: {  	v24 =	vor.u32 v12, v18  }
0x92: {  	v25 =	vor.u32 v8, v18;
	v29 =	vld.idx.msk [tilespmem:v0+s2+$0x0], $0xffff  }
0x93: {  	v1 =	vor.u32 v33, v27;
	v0 =	vld.idx.msk [tilespmem:v21+s2+$0x0], $0xffff  }
0x94: {  	v41 =	vld.idx.msk [tilespmem:v23+s2+$0x0], $0xffff;
	v23 =	vor.u32 v7, v27;
	_ =	sdelay $0x1  }
0x95: {  	v31 =	vld.idx.msk [tilespmem:v24+s2+$0x0], $0xffff  }
0x96: {  	v32 =	vld.idx.msk [tilespmem:v25+s2+$0x0], $0xffff  }
0x97: {  	v2 =	vld.idx.msk [tilespmem:v1+s2+$0x0], $0xffff;
	[tilespmem:$0x1FBC0] =	vst v0  }
0x98: {  	v0 =	vld.idx.msk [tilespmem:v23+s2+$0x0], $0xffff  }
0x99: {  	v1 =	vor.u32 v3, v27;
	_ =	sdelay $0x2  }
0x9a: {  	v26 =	vor.u32 v5, v27  }
0x9b: {  	v25 =	vor.u32 v4, v27;
	[tilespmem:$0x1FBD0] =	vst v0  }
0x9c: {  	v24 =	vld.idx.msk [tilespmem:v1+s2+$0x0], $0xffff;
	v1 =	vor.u32 v15, v27  }
0x9d: {  	v30 =	vor.u32 v10, v18;
	v28 =	vshll.u32 v20, $0x4  }
0x9e: {  	v34 =	vshll.u32 v6, $0x4;
	v20 =	vor.u32 v47, v28  }
0x9f: {  	v6 =	vor.u32 v5, v34;
	v22 =	vld.idx.msk [tilespmem:v26+s2+$0x0], $0xffff  }
0xa0: {  	v23 =	vor.u32 v33, v34;
	v21 =	vld.idx.msk [tilespmem:v25+s2+$0x0], $0xffff  }
0xa1: {  	v25 =	vor.u32 v47, v34;
	v0 =	vld.idx.msk [tilespmem:v1+s2+$0x0], $0xffff  }
0xa2: {  	v61 =	vor.u32 v14, v27;
	v35 =	vld.idx.msk [tilespmem:v30+s2+$0x0], $0xffff  }
0xa3: {  	v39 =	vld.idx.msk [tilespmem:v20+s2+$0x0], $0xffff;
	v20 =	vor.u32 v9, v34  }
0xa4: {  	v42 =	vld.idx.msk [tilespmem:v6+s2+$0x0], $0xffff  }
0xa5: {  	v36 =	vld.idx.msk [tilespmem:v23+s2+$0x0], $0xffff  }
0xa6: {  	v43 =	vld.idx.msk [tilespmem:v25+s2+$0x0], $0xffff;
	[tilespmem:$0x1FBE0] =	vst v0  }
0xa7: {  	v26 =	vor.u32 v8, v34;
	v0 =	vld.idx.msk [tilespmem:v61+s2+$0x0], $0xffff  }
0xa8: {  	v37 =	vld.idx.msk [tilespmem:v20+s2+$0x0], $0xffff;
	v20 =	vor.u32 v4, v28;
	_ =	sdelay $0x1  }
0xa9: {  	v23 =	vor.u32 v7, v34  }
0xaa: {  	v25 =	vor.u32 v3, v34  }
0xab: {  	v38 =	vor.u32 v4, v34;
	v26 =	vld.idx.msk [tilespmem:v26+s2+$0x0], $0xffff;
	[tilespmem:$0x1FBF0] =	vst v0  }
0xac: {  	v40 =	vld.idx.msk [tilespmem:v20+s2+$0x0], $0xffff;
	v20 =	vor.u32 v15, v28  }
0xad: {  	v44 =	vor.u32 v13, v34  }
0xae: {  	v62 =	vor.u32 v12, v34;
	v48 =	vld.idx.msk [tilespmem:v23+s2+$0x0], $0xffff  }
0xaf: {  	v23 =	vor.u32 v10, v34;
	v46 =	vld.idx.msk [tilespmem:v25+s2+$0x0], $0xffff  }
0xb0: {  	v63 =	vor.u32 v17, v34;
	v49 =	vld.idx.msk [tilespmem:v38+s2+$0x0], $0xffff  }
0xb1: {  	v25 =	vor.u32 v15, v34;
	v0 =	vld.idx.msk [tilespmem:v20+s2+$0x0], $0xffff  }
0xb2: {  	v44 =	vld.idx.msk [tilespmem:v44+s2+$0x0], $0xffff  }
0xb3: {  	v50 =	vor.u32 v10, v28;
	v6 =	vld.idx.msk [tilespmem:v62+s2+$0x0], $0xffff  }
0xb4: {  	v51 =	vld.idx.msk [tilespmem:v23+s2+$0x0], $0xffff  }
0xb5: {  	v58 =	vor.u32 v10, v27;
	v57 =	vld.idx.msk [tilespmem:v63+s2+$0x0], $0xffff  }
0xb6: {  	v55 =	vld.idx.msk [tilespmem:v25+s2+$0x0], $0xffff;
	[tilespmem:$0x1FC00] =	vst v0;
	v0 =	vor.u32 v17, v27  }
0xb7: {  	v53 =	vor.u32 v5, v28;
	[tilespmem:$0x1FC10] =	vst v0  }
0xb8: {  	v56 =	vor.u32 v11, v27;
	v10 =	vimm.f32 $0.0e+00;
	v0 =	vor.u32 v16, v27;
	v50 =	vld.idx.msk [tilespmem:v50+s2+$0x0], $0xffff  }
0xb9: {  	v60 =	vor.u32 v47, v18;
	v51 =	vadd.f32 v51, v10;
	[tilespmem:$0x1FC20] =	vst v0  }
0xba: {  	v61 =	vor.u32 v33, v18;
	v26 =	vadd.f32 v26, v10;
	v0 =	vld.idx.msk [tilespmem:v58+s2+$0x0], $0xffff  }
0xbb: {  	v63 =	vor.u32 v3, v18;
	v35 =	vadd.f32 v35, v51  }
0xbc: {  	v62 =	vadd.f32 v32, v26;
	v44 =	vadd.f32 v44, v10;
	v25 =	vld.idx.msk [tilespmem:v53+s2+$0x0], $0xffff;
	v53 =	vor.u32 v33, v28  }
0xbd: {  	v32 =	vor.u32 v4, v18;
	v6 =	vadd.f32 v6, v10;
	v38 =	vld.idx.msk [tilespmem:v56+s2+$0x0], $0xffff;
	v50 =	vadd.f32 v50, v35  }
0xbe: {  	v54 =	vadd.f32 v57, v10;
	v26 =	vadd.f32 v29, v44;
	v29 =	vor.u32 v3, v28;
	v44 =	vld.idx.msk [tilespmem:v60+s2+$0x0], $0xffff  }
0xbf: {  	v51 =	vor.u32 v5, v18;
	v56 =	vadd.f32 v31, v6;
	v31 =	vld.idx.msk [tilespmem:v61+s2+$0x0], $0xffff;
	v0 =	vadd.f32 v0, v50  }
0xc0: {  	v30 =	vor.u32 v12, v28;
	v43 =	vadd.f32 v43, v10;
	v57 =	vor.u32 v12, v27;
	v60 =	vld.idx.msk [tilespmem:v63+s2+$0x0], $0xffff  }
0xc1: {  	v59 =	vadd.f32 v41, v54;
	v41 =	vor.u32 v8, v27;
	v61 =	vld.idx.msk [tilespmem:v53+s2+$0x0], $0xffff;
	[tilespmem:$0x1FC30] =	vst v0  }
0xc2: {  	v4 =	vadd.f32 v42, v10;
	v42 =	vor.u32 v11, v28;
	v33 =	vor.u32 v9, v18;
	v6 =	vld.idx.msk [tilespmem:v32+s2+$0x0], $0xffff  }
0xc3: {  	v20 =	vor.u32 v14, v18;
	v23 =	vor.u32 v9, v27;
	v5 =	vor.u32 v9, v28;
	v29 =	vld.idx.msk [tilespmem:v29+s2+$0x0], $0xffff  }
0xc4: {  	v46 =	vadd.f32 v46, v10;
	v54 =	vadd.f32 v36, v10;
	v0 =	vor.u32 v7, v18;
	v53 =	vld.idx.msk [tilespmem:v51+s2+$0x0], $0xffff  }
0xc5: {  	v49 =	vadd.f32 v49, v10;
	v43 =	vadd.f32 v44, v43;
	v44 =	vor.u32 v47, v27;
	v36 =	vld.idx.msk [tilespmem:v57+s2+$0x0], $0xffff  }
0xc6: {  	v31 =	vadd.f32 v31, v54;
	v58 =	vadd.f32 v60, v46;
	v60 =	vor.u32 v16, v34;
	v32 =	vld.idx.msk [tilespmem:v41+s2+$0x0], $0xffff  }
0xc7: {  	v48 =	vadd.f32 v48, v10;
	v3 =	vor.u32 v11, v34;
	v46 =	vadd.f32 v39, v43;
	v1 =	vld.idx.msk [tilespmem:v33+s2+$0x0], $0xffff  }
0xc8: {  	v39 =	vor.u32 v8, v28;
	v50 =	vld.idx.msk [tilespmem:v5+s2+$0x0], $0xffff;
	v27 =	vadd.f32 v61, v31;
	v31 =	vor.u32 v7, v28  }
0xc9: {  	v7 =	vor.u32 v14, v34;
	v61 =	vadd.f32 v55, v10;
	v63 =	vld.idx.msk [tilespmem:v0+s2+$0x0], $0xffff;
	v0 =	vadd.f32 v37, v10  }
0xca: {  	v51 =	vld.idx.msk [tilespmem:v44+s2+$0x0], $0xffff;
	v55 =	vor.u32 v17, v28;
	v6 =	vadd.f32 v6, v49;
	v57 =	vadd.f32 v29, v58  }
0xcb: {  	v34 =	vor.u32 v16, v28;
	v58 =	vadd.f32 v53, v4;
	v53 =	vld.idx.msk [tilespmem:v60+s2+$0x0], $0xffff;
	v60 =	vadd.f32 v2, v27  }
0xcc: {  	v44 =	vld.idx.msk [tilespmem:v3+s2+$0x0], $0xffff;
	v27 =	vor.u32 v13, v28;
	v29 =	vor.u32 v15, v18;
	v28 =	vor.u32 v14, v28  }
0xcd: {  	v15 =	vimm.f32 $0.0e+00;
	v31 =	vld.idx.msk [tilespmem:v31+s2+$0x0], $0xffff;
	v18 =	vadd.f32 v1, v0;
	v43 =	vadd.f32 v40, v6  }
0xce: {  	s17 =	simm.s32 $0x4;
	v47 =	vld.idx.msk [tilespmem:v7+s2+$0x0], $0xffff;
	v41 =	vadd.f32 v24, v57;
	v0 =	vadd.f32 v25, v58;
	v24 =	vimm.f32 $0.0e+00  }
.LBB2_5:
0xcf: {  	v1 =	vadd.f32 v51, v46;
	_ =	sdelay $0x1  }
0xd0: {  	[tilespmem:$0x1FB00] =	vst v1;
	v1 =	vld [tilespmem:$0x1FBA0]  }
0xd1: {  	v33 =	vmov s17;
	s18 =	sadd.s32 $0x1, s17;
	v18 =	vadd.f32 v50, v18;
	v50 =	vld.idx.msk [tilespmem:v23+s2+$0x0], $0xffff  }
0xd2: {  	s19 =	sadd.s32 $0x2, s17;
	v2 =	vld.idx.msk [tilespmem:v27+s2+$0x0], $0xffff;
	s20 =	smov.u32 s17;
	v4 =	vand.u32 $0xF8, v33;
	v27 =	vmov s18;
	v45 =	vadd.f32 v53, v10  }
0xd3: {  	v0 =	vadd.f32 v22, v0;
	v7 =	vmov s19;
	s31 =	sadd.s32 $0x3, s20;
	v5 =	vand.u32 $0xF8, v27  }
0xd4: {  	v49 =	vand.u32 $0xF8, v7;
	v37 =	vadd.f32 v19, v45;
	v45 =	vld.idx.msk [tilespmem:v28+s2+$0x0], $0xffff;
	v28 =	vmov s31  }
0xd5: {  	[tilespmem:$0x1FB10] =	vst v0;
	v54 =	vand.u32 $0xF8, v28;
	v0 =	vadd.s32 v1, v5;
	v46 =	vadd.s32 v1, v4  }
0xd6: {  	v54 =	vadd.s32 v1, v54;
	v40 =	vadd.s32 v1, v49;
	v1 =	vadd.f32 v50, v18;
	_ =	sdelay $0x1  }
0xd7: {  	[tilespmem:$0x1FB50] =	vst v1;
	v1 =	vld [tilespmem:$0x1FBC0];
	_ =	sdelay $0x2  }
0xd8: {  	v2 =	vadd.f32 v2, v26  }
0xd9: {  	v3 =	vld [tilespmem:$0x1FC20]  }
0xda: {  	v26 =	vadd.f32 v1, v2;
	v1 =	vld [tilespmem:$0x1FBB0];
	_ =	sdelay $0x2  }
0xdb: {  	v44 =	vadd.f32 v44, v24;
	_ =	sdelay $0x1  }
0xdc: {  	v2 =	vadd.f32 v1, v44;
	v1 =	vld [tilespmem:$0x1FC10]  }
0xdd: {  	v34 =	vld.idx.msk [tilespmem:v34+s2+$0x0], $0xffff;
	_ =	sdelay $0x1  }
0xde: {  	v25 =	vld.idx.msk [tilespmem:v3+s2+$0x0], $0xffff;
	_ =	sdelay $0x2  }
0xdf: {  	v52 =	vld.idx.msk [tilespmem:v20+s2+$0x0], $0xffff;
	v18 =	vadd.f32 v34, v37  }
0xe0: {  	v6 =	vand.u32 $0x5, v27  }
0xe1: {  	v0 =	vor.u32 v6, v0;
	v22 =	vld.idx.msk [tilespmem:v1+s2+$0x0], $0xffff;
	v1 =	vadd.f32 v25, v18  }
0xe2: {  	v39 =	vld.idx.msk [tilespmem:v39+s2+$0x0], $0xffff;
	v47 =	vadd.f32 v47, v15  }
0xe3: {  	v58 =	vand.u32 $0x7, v28;
	[tilespmem:$0x1FB80] =	vst v1;
	v1 =	vld [tilespmem:$0x1FBF0]  }
0xe4: {  	v48 =	vadd.f32 v63, v48;
	v42 =	vld.idx.msk [tilespmem:v42+s2+$0x0], $0xffff;
	v63 =	vor.u32 v58, v54;
	v6 =	vadd.f32 v52, v47  }
0xe5: {  	v35 =	vld [tilespmem:$0x1FFE0]  }
0xe6: {  	v54 =	vadd.f32 v45, v6;
	v0 =	vld.idx.msk [tilespmem:v0+s10+$0x0], $0xffff  }
0xe7: {  	v4 =	vld.idx.msk [tilespmem:v30+s2+$0x0], $0xffff  }
0xe8: {  	v33 =	vand.u32 $0x4, v33;
	v5 =	vand.u32 $0x6, v7;
	v7 =	vld.idx.msk [tilespmem:v55+s2+$0x0], $0xffff;
	v1 =	vadd.f32 v1, v54  }
0xe9: {  	v33 =	vor.u32 v33, v46;
	v20 =	vld.idx.msk [tilespmem:v63+s10+$0x0], $0xffff  }
0xea: {  	[tilespmem:$0x1FB70] =	vst v1;
	v1 =	vld [tilespmem:$0x1FBD0]  }
0xeb: {  	v24 =	vadd.f32 v31, v48;
	v34 =	vmov v60;
	v60 =	vld [tilespmem:$0x1FFF0];
	v31 =	vshll.u32 v0, $0x4  }
0xec: {  	v49 =	vld [tilespmem:$0x1FF50];
	v25 =	vor.u32 v11, v31  }
0xed: {  	v58 =	vld [tilespmem:$0x1FFC0]  }
0xee: {  	v3 =	vadd.f32 v21, v43;
	v40 =	vor.u32 v5, v40;
	v43 =	vld.idx.msk [tilespmem:v33+s10+$0x0], $0xffff  }
0xef: {  	v52 =	vld.idx.msk [tilespmem:v29+s2+$0x0], $0xffff;
	v46 =	vshll.u32 v20, $0x4;
	v63 =	vadd.f32 v1, v24;
	v1 =	vor.u32 v14, v31  }
0xf0: {  	v45 =	vld [tilespmem:$0x1FF60];
	v57 =	vor.u32 v60, v31;
	[tilespmem:$0x1FB40] =	vst v1;
	v1 =	vor.u32 v60, v46  }
0xf1: {  	[tilespmem:$0x1FC10] =	vst v1;
	v1 =	vld.idx.msk [tilespmem:v25+s2+$0x0], $0xffff  }
0xf2: {  	v6 =	vld [tilespmem:$0x1FF90];
	v30 =	vor.u32 v58, v31  }
0xf3: {  	v0 =	vld.idx.msk [tilespmem:v40+s10+$0x0], $0xffff;
	v43 =	vshll.u32 v43, $0x4;
	v53 =	vor.u32 v14, v46;
	v2 =	vadd.f32 v42, v2  }
0xf4: {  	v55 =	vadd.f32 v7, v59;
	v59 =	vld [tilespmem:$0x1FFD0];
	v19 =	vor.u32 v35, v43  }
0xf5: {  	v39 =	vadd.f32 v39, v62;
	v29 =	vadd.f32 v38, v2;
	v2 =	vor.u32 v45, v46;
	v48 =	vld.idx.msk [tilespmem:v57+s2+$0x0], $0xffff  }
0xf6: {  	[tilespmem:$0x1FBB0] =	vst v1;
	v1 =	vld [tilespmem:$0x1FC00]  }
0xf7: {  	v32 =	vadd.f32 v32, v39;
	v38 =	vor.u32 v49, v43;
	v5 =	vld.idx.msk [tilespmem:v30+s2+$0x0], $0xffff  }
0xf8: {  	v39 =	vadd.f32 v52, v61;
	v61 =	vor.u32 v13, v31;
	v33 =	vshll.u32 v0, $0x4;
	v53 =	vld.idx.msk [tilespmem:v53+s2+$0x0], $0xffff  }
0xf9: {  	v15 =	vor.u32 v6, v33;
	v19 =	vld.idx.msk [tilespmem:v19+s2+$0x0], $0xffff  }
0xfa: {  	v42 =	vld.idx.msk [tilespmem:v2+s2+$0x0], $0xffff  }
0xfb: {  	v18 =	vadd.f32 v4, v56;
	v56 =	vor.u32 v59, v31;
	v23 =	vadd.f32 v1, v39;
	v1 =	vld [tilespmem:$0x1FBE0]  }
0xfc: {  	v21 =	vor.u32 v49, v31;
	v38 =	vld.idx.msk [tilespmem:v38+s2+$0x0], $0xffff  }
0xfd: {  	v37 =	vmov v11;
	v11 =	vor.u32 v58, v43;
	v18 =	vadd.f32 v36, v18;
	v36 =	vld.idx.msk [tilespmem:v61+s2+$0x0], $0xffff  }
0xfe: {  	v15 =	vld.idx.msk [tilespmem:v15+s2+$0x0], $0xffff  }
0xff: {  	v28 =	vadd.f32 v22, v55;
	v22 =	vld [tilespmem:$0x1FFA0];
	v24 =	vor.u32 v16, v31  }
0x100: {  	v50 =	vld.idx.msk [tilespmem:v56+s2+$0x0], $0xffff;
	v27 =	vadd.f32 v1, v23;
	v1 =	vor.u32 v45, v43  }
0x101: {  	v56 =	vld.idx.msk [tilespmem:v21+s2+$0x0], $0xffff  }
0x102: {  	v55 =	vor.u32 v6, v43;
	v11 =	vld.idx.msk [tilespmem:v11+s2+$0x0], $0xffff  }
0x103: {  	v0 =	vor.u32 v16, v46;
	v54 =	vld [tilespmem:$0x1FFB0]  }
0x104: {  	[tilespmem:$0x1FC20] =	vst v0;
	v0 =	vld.idx.msk [tilespmem:v24+s2+$0x0], $0xffff;
	v24 =	vor.u32 v13, v46  }
0x105: {  	v62 =	vor.u32 v22, v46;
	v10 =	vld.idx.msk [tilespmem:v1+s2+$0x0], $0xffff  }
0x106: {  	v2 =	vor.u32 v22, v43;
	v1 =	vld [tilespmem:$0x1FC60]  }
0x107: {  	v47 =	vor.u32 v35, v46;
	v20 =	vld.idx.msk [tilespmem:v55+s2+$0x0], $0xffff  }
0x108: {  	v8 =	vor.u32 v22, v31;
	v25 =	vld [tilespmem:$0x1FF80]  }
0x109: {  	v9 =	vlaneseq.u32;
	[tilespmem:$0x1FB30] =	vst v3;
	v7 =	vor.u32 v54, v46;
	v3 =	vld.idx.msk [tilespmem:v24+s2+$0x0], $0xffff  }
0x10a: {  	v61 =	vld.idx.msk [tilespmem:v62+s2+$0x0], $0xffff;
	v23 =	vor.u32 v9, v43  }
0x10b: {  	v57 =	vmov v16;
	v2 =	vld.idx.msk [tilespmem:v2+s2+$0x0], $0xffff;
	v16 =	vor.u32 v1, v43  }
0x10c: {  	v1 =	vld.idx.msk [tilespmem:v47+s2+$0x0], $0xffff  }
0x10d: {  	v8 =	vld.idx.msk [tilespmem:v8+s2+$0x0], $0xffff;
	v62 =	vor.u32 v25, v43  }
0x10e: {  	v39 =	vor.u32 v6, v46;
	[tilespmem:$0x1FBC0] =	vst v3;
	v3 =	vld.idx.msk [tilespmem:v7+s2+$0x0], $0xffff  }
0x10f: {  	v13 =	vld.idx.msk [tilespmem:v23+s2+$0x0], $0xffff;
	v23 =	vor.u32 v59, v43  }
0x110: {  	v32 =	vadd.f32 v38, v32;
	v38 =	vor.u32 v35, v33;
	v55 =	vor.u32 v60, v33;
	v16 =	vld.idx.msk [tilespmem:v16+s2+$0x0], $0xffff  }
0x111: {  	v52 =	vld [tilespmem:$0x1FF70];
	[tilespmem:$0x1FBE0] =	vst v1;
	v1 =	vor.u32 v60, v43;
	v60 =	vor.u32 v22, v33;
	v22 =	vor.u32 v37, v46  }
0x112: {  	v7 =	vor.u32 v6, v31;
	v6 =	vld.idx.msk [tilespmem:v62+s2+$0x0], $0xffff  }
0x113: {  	v51 =	vor.u32 v25, v46;
	v4 =	vld.idx.msk [tilespmem:v39+s2+$0x0], $0xffff  }
0x114: {  	v21 =	vld.idx.msk [tilespmem:v23+s2+$0x0], $0xffff  }
0x115: {  	[tilespmem:$0x1FB60] =	vst v0;
	v0 =	vor.u32 v9, v33;
	v26 =	vadd.f32 v16, v26;
	v16 =	vld.idx.msk [tilespmem:v38+s2+$0x0], $0xffff  }
0x116: {  	v62 =	vadd.f32 v56, v32;
	v32 =	vor.u32 v58, v33;
	v38 =	vld.idx.msk [tilespmem:v22+s2+$0x0], $0xffff  }
0x117: {  	v39 =	vor.u32 v54, v43;
	v22 =	vld [tilespmem:$0x1FC30]  }
0x118: {  	v44 =	vld.idx.msk [tilespmem:v51+s2+$0x0], $0xffff;
	v23 =	vor.u32 v58, v46  }
0x119: {  	v30 =	vor.u32 v52, v43;
	v24 =	vor.u32 v25, v33;
	v1 =	vld.idx.msk [tilespmem:v1+s2+$0x0], $0xffff  }
0x11a: {  	v51 =	vor.u32 v25, v31;
	v0 =	vld.idx.msk [tilespmem:v0+s2+$0x0], $0xffff;
	[tilespmem:$0x1FB90] =	vst v4;
	v4 =	vor.u32 v45, v31  }
0x11b: {  	[tilespmem:$0x1FBD0] =	vst v3;
	v3 =	vor.u32 v9, v31;
	v25 =	vld.idx.msk [tilespmem:v32+s2+$0x0], $0xffff;
	v18 =	vadd.f32 v21, v18  }
0x11c: {  	[tilespmem:$0x1FBF0] =	vst v53;
	v53 =	vld.idx.msk [tilespmem:v39+s2+$0x0], $0xffff;
	v11 =	vadd.f32 v11, v22  }
0x11d: {  	v56 =	vadd.f32 v50, v18;
	v18 =	vld.idx.msk [tilespmem:v23+s2+$0x0], $0xffff  }
0x11e: {  	v47 =	vld.idx.msk [tilespmem:v30+s2+$0x0], $0xffff;
	v1 =	vadd.f32 v1, v28;
	v5 =	vadd.f32 v5, v11  }
0x11f: {  	v30 =	vor.u32 v59, v33;
	v4 =	vld.idx.msk [tilespmem:v4+s2+$0x0], $0xffff;
	[tilespmem:$0x1FC00] =	vst v16;
	v11 =	vor.u32 v45, v33  }
0x120: {  	v16 =	vor.u32 v59, v46;
	v59 =	vadd.f32 v48, v1;
	v1 =	vld.idx.msk [tilespmem:v3+s2+$0x0], $0xffff;
	v3 =	vadd.f32 v25, v5  }
0x121: {  	[tilespmem:$0x1FB20] =	vst v41;
	v41 =	vor.u32 v52, v46;
	v12 =	vor.u32 v54, v31;
	v21 =	vld.idx.msk [tilespmem:v60+s2+$0x0], $0xffff  }
0x122: {  	v9 =	vor.u32 v9, v46;
	v60 =	vor.u32 v49, v46;
	v46 =	vld.idx.msk [tilespmem:v51+s2+$0x0], $0xffff;
	v3 =	vadd.f32 v18, v3  }
0x123: {  	v22 =	vmov v61;
	v61 =	vadd.f32 v19, v27;
	v19 =	vld [tilespmem:$0x1FB20]  }
0x124: {  	[tilespmem:$0x1FC30] =	vst v3;
	v3 =	vld.idx.msk [tilespmem:v11+s2+$0x0], $0xffff  }
0x125: {  	v11 =	vld [tilespmem:$0x1FB00]  }
0x126: {  	v48 =	vadd.f32 v53, v63;
	v63 =	vld.idx.msk [tilespmem:v12+s2+$0x0], $0xffff  }
0x127: {  	v40 =	vmov v14;
	v14 =	vor.u32 v52, v31;
	v12 =	vld [tilespmem:$0x1FB30]  }
0x128: {  	v26 =	vadd.f32 v36, v26;
	v36 =	vld.idx.msk [tilespmem:v16+s2+$0x0], $0xffff  }
0x129: {  	v10 =	vadd.f32 v10, v34;
	v16 =	vld.idx.msk [tilespmem:v24+s2+$0x0], $0xffff  }
0x12a: {  	v6 =	vadd.f32 v6, v19;
	v11 =	vadd.f32 v13, v11;
	v13 =	vld [tilespmem:$0x1FB10]  }
0x12b: {  	v7 =	vld.idx.msk [tilespmem:v7+s2+$0x0], $0xffff;
	v18 =	vor.u32 v52, v33  }
0x12c: {  	v17 =	vor.u32 v37, v43;
	v4 =	vadd.f32 v4, v10;
	v10 =	vld.idx.msk [tilespmem:v14+s2+$0x0], $0xffff;
	v5 =	vadd.f32 v46, v6  }
0x12d: {  	v32 =	vld.idx.msk [tilespmem:v60+s2+$0x0], $0xffff  }
0x12e: {  	v51 =	vld.idx.msk [tilespmem:v9+s2+$0x0], $0xffff;
	v58 =	vadd.f32 v16, v5;
	v1 =	vadd.f32 v1, v11  }
0x12f: {  	v12 =	vadd.f32 v20, v12;
	v20 =	vld [tilespmem:$0x1FB40];
	v2 =	vadd.f32 v2, v13;
	v13 =	vor.u32 v57, v43  }
0x130: {  	v23 =	vmov v41;
	v50 =	vld.idx.msk [tilespmem:v18+s2+$0x0], $0xffff;
	v41 =	vadd.f32 v44, v58;
	v46 =	vadd.f32 v0, v1  }
0x131: {  	v44 =	vld.idx.msk [tilespmem:v17+s2+$0x0], $0xffff;
	v11 =	vor.u32 v54, v33;
	v1 =	vadd.f32 v3, v4;
	v3 =	vadd.f32 v7, v12  }
0x132: {  	v19 =	vor.u32 v40, v43;
	v0 =	vld [tilespmem:$0x1FB50]  }
0x133: {  	v43 =	vadd.f32 v15, v3;
	v15 =	vld [tilespmem:$0x1FB70]  }
0x134: {  	v53 =	vld.idx.msk [tilespmem:v13+s2+$0x0], $0xffff  }
0x135: {  	p0 =	slt.u32 s17, $0xC4;
	v13 =	vld [tilespmem:$0x1FC60]  }
.Ltmp1:
0x136: {  	v24 =	vmov v29;
	v29 =	vor.u32 v35, v31;
	v31 =	vld.idx.msk [tilespmem:v11+s2+$0x0], $0xffff;
	(pc) =	sbr.rel @p0 .LBB2_5-.Ltmp1, $4  }
0x137: {  	v0 =	vadd.f32 v47, v0;
	v47 =	vld.idx.msk [tilespmem:v19+s2+$0x0], $0xffff  }
0x138: {  	v39 =	vor.u32 v49, v33;
	v34 =	vor.u32 v57, v33;
	v14 =	vmovc v40;
	v2 =	vadd.f32 v8, v2;
	v19 =	vld [tilespmem:$0x1FB60]  }
0x139: {  	s16 =	sadd.s32 $0x4, s17;
	v28 =	vor.u32 v40, v33;
	v16 =	vmovc v57;
	v60 =	vadd.f32 v42, v1;
	v18 =	vadd.f32 v10, v0;
	v10 =	vld [tilespmem:$0x1FB80]  }
0x13a: {  	s17 =	smov.u32 s16;
	v42 =	vor.u32 v37, v33;
	v11 =	vmovc v37;
	v0 =	vadd.f32 v21, v2;
	v21 =	vld [tilespmem:$0x1FB90];
	v27 =	vor.u32 v13, v33  }
0x13b: {  	_ =	sdelay $0x3  }
0x13c: {  	v2 =	vld.idx.msk [tilespmem:v27+s2+$0x0], $0xffff  }
0x13d: {  	v5 =	vld.idx.msk [tilespmem:v39+s2+$0x0], $0xffff  }
0x13e: {  	v6 =	vld.idx.msk [tilespmem:v20+s2+$0x0], $0xffff  }
0x13f: {  	v33 =	vld [tilespmem:$0x1FCC0]  }
0x140: {  	v39 =	vld [tilespmem:$0x1FCD0]  }
0x141: {  	v45 =	vld [tilespmem:$0x1FCE0]  }
0x142: {  	v1 =	vadd.f32 v63, v48;
	v63 =	vld [tilespmem:$0x1FF40]  }
0x143: {  	v3 =	vadd.f32 v51, v46;
	v46 =	vld [tilespmem:$0x1FCF0]  }
0x144: {  	v12 =	vld [tilespmem:$0x1FD00]  }
0x145: {  	v13 =	vld [tilespmem:$0x1FE90]  }
0x146: {  	v14 =	vld.idx.msk [tilespmem:v23+s2+$0x0], $0xffff  }
0x147: {  	v48 =	vld [tilespmem:$0x1FD30];
	v8 =	vnsel vm2, $0x9, v45  }
0x148: {  	v9 =	vadd.f32 v50, v18;
	v50 =	vld [tilespmem:$0x1FD40];
	v8 =	vsel vm3, v46, v8  }
0x149: {  	v8 =	vsel vm4, v12, v8;
	v12 =	vld [tilespmem:$0x1FEB0]  }
0x14a: {  	v18 =	vld [tilespmem:$0x1FD60]  }
0x14b: {  	v51 =	vld [tilespmem:$0x1FD90]  }
0x14c: {  	v52 =	vld [tilespmem:$0x1FDA0]  }
0x14d: {  	v54 =	vld [tilespmem:$0x1FDD0];
	v4 =	vadd.f32 v53, v10  }
0x14e: {  	v12 =	vsel vm6, v13, v12;
	v13 =	vadd.f32 v47, v15;
	v15 =	vld [tilespmem:$0x1FD50]  }
0x14f: {  	v19 =	vadd.f32 v19, v4;
	v4 =	vld [tilespmem:$0x1FC70]  }
0x150: {  	v58 =	vld [tilespmem:$0x1FDE0]  }
0x151: {  	v20 =	vadd.f32 v21, v43;
	v43 =	vld [tilespmem:$0x1FC80]  }
0x152: {  	v35 =	vld [tilespmem:$0x1FDF0]  }
0x153: {  	v12 =	vsel vm7, v15, v12;
	v15 =	vld [tilespmem:$0x1FCB0]  }
0x154: {  	v49 =	vld [tilespmem:$0x1FBC0]  }
0x155: {  	v10 =	vld.idx.msk [tilespmem:v28+s2+$0x0], $0xffff;
	v7 =	vsel vm1, v39, v33  }
0x156: {  	v28 =	vld [tilespmem:$0x1FD10];
	v11 =	vcombine.low v7, v63  }
0x157: {  	v4 =	vld.idx.msk [tilespmem:v4+s9+$0x0], $0xffff  }
0x158: {  	v47 =	vld [tilespmem:$0x1FD20];
	v12 =	vsel vm8, v18, v12;
	v18 =	vadd.f32 v44, v24;
	v44 =	vimm.s32 $0x28  }
0x159: {  	v21 =	vld.idx.msk [tilespmem:v43+s9+$0x0], $0xffff  }
0x15a: {  	v43 =	vld [tilespmem:$0x1FD70]  }
0x15b: {  	v15 =	vld.idx.msk [tilespmem:v15+s9+$0x0], $0xffff  }
0x15c: {  	v3 =	vadd.f32 v4, v3;
	v4 =	vld.idx.msk [tilespmem:v11+s9+$0x0], $0xffff  }
0x15d: {  	v23 =	vld.idx.msk [tilespmem:v44+s9+$0x0], $0xffff  }
0x15e: {  	v44 =	vld [tilespmem:$0x1FD80]  }
0x15f: {  	v29 =	vld.idx.msk [tilespmem:v29+s2+$0x0], $0xffff  }
0x160: {  	v1 =	vadd.f32 v31, v1;
	v31 =	vld [tilespmem:$0x1FF30];
	v8 =	vsel vm5, $0x8, v8;
	v15 =	vadd.f32 v15, v60  }
0x161: {  	v0 =	vadd.f32 v22, v0;
	v53 =	vld [tilespmem:$0x1FDC0];
	v17 =	vsel vm1, v50, v48;
	v16 =	vsel vm1, v47, v28  }
0x162: {  	v9 =	vadd.f32 v14, v9;
	v14 =	vld.idx.msk [tilespmem:v42+s2+$0x0], $0xffff;
	v22 =	vcombine.low v17, v16;
	v15 =	vmax.f32 v15, $0.0e+00  }
0x163: {  	v25 =	vsel vm1, v52, v51;
	v24 =	vsel vm1, v44, v43;
	v4 =	vmul.f32 v15, v4;
	v15 =	vld [tilespmem:$0x1FDB0]  }
0x164: {  	v5 =	vadd.f32 v5, v62;
	v42 =	vld [tilespmem:$0x1FC50];
	v11 =	vcombine.low v25, v24  }
0x165: {  	v8 =	vld.idx.msk [tilespmem:v8+s9+$0x0], $0xffff  }
0x166: {  	v2 =	vadd.f32 v2, v26;
	v5 =	vadd.f32 v32, v5;
	v32 =	vld [tilespmem:$0x1FF20]  }
0x167: {  	v26 =	vsel vm1, v35, v58;
	v6 =	vadd.f32 v6, v13;
	v13 =	vsel vm1, v54, v53;
	v12 =	vld.idx.msk [tilespmem:v12+s9+$0x0], $0xffff  }
0x168: {  	v27 =	vcombine.low v26, v13;
	v3 =	vmax.f32 v3, $0.0e+00;
	v62 =	vld.idx.msk [tilespmem:v22+s9+$0x0], $0xffff  }
0x169: {  	v3 =	vmul.f32 v3, v21;
	v60 =	vld [tilespmem:$0x1FBB0]  }
0x16a: {  	v6 =	vadd.f32 v10, v6;
	v8 =	vadd.f32 v8, v41;
	v10 =	vld.idx.msk [tilespmem:v11+s9+$0x0], $0xffff  }
0x16b: {  	v3 =	vadd.f32 v3, v23;
	v15 =	vld.idx.msk [tilespmem:v15+s9+$0x0], $0xffff  }
0x16c: {  	v2 =	vadd.f32 v49, v2;
	v49 =	vsel vm1, v53, v35;
	v53 =	vld [tilespmem:$0x1FE30];
	v8 =	vmax.f32 v8, $0.0e+00  }
0x16d: {  	v41 =	vld [tilespmem:$0x1FBD0];
	v8 =	vmul.f32 v8, v62;
	v3 =	vadd.f32 v4, v3;
	v4 =	vadd.f32 v12, v20  }
0x16e: {  	v18 =	vadd.f32 v60, v18;
	v12 =	vld.idx.msk [tilespmem:v27+s9+$0x0], $0xffff  }
0x16f: {  	v4 =	vmax.f32 v4, $0.0e+00;
	v3 =	vadd.f32 v8, v3;
	v8 =	vld [tilespmem:$0x1FE20]  }
0x170: {  	v14 =	vadd.f32 v14, v18;
	v18 =	vld [tilespmem:$0x1FE60];
	v4 =	vmul.f32 v4, v10;
	v0 =	vadd.f32 v15, v0  }
0x171: {  	v27 =	vsel vm1, v43, v52;
	v52 =	vld [tilespmem:$0x1FE70]  }
0x172: {  	v3 =	vadd.f32 v4, v3;
	v4 =	vld [tilespmem:$0x1FED0];
	v0 =	vmax.f32 v0, $0.0e+00  }
0x173: {  	v22 =	vsel vm1, v32, v39;
	v20 =	vsel vm1, v33, v31;
	v0 =	vmul.f32 v0, v12;
	v12 =	vld [tilespmem:$0x1FEE0]  }
0x174: {  	v11 =	vld.idx.msk [tilespmem:v30+s2+$0x0], $0xffff;
	v33 =	vcombine.low v22, v20  }
0x175: {  	v23 =	vsel vm1, v28, v50;
	v50 =	vld [tilespmem:$0x1FC90];
	v15 =	vsel vm1, v48, v47  }
0x176: {  	v21 =	vsel vm1, v51, v44;
	v51 =	vld [tilespmem:$0x1FE40];
	v10 =	vcombine.low v23, v15  }
0x177: {  	v8 =	vld.idx.msk [tilespmem:v8+s9+$0x0], $0xffff  }
0x178: {  	v18 =	vld.idx.msk [tilespmem:v18+s9+$0x0], $0xffff;
	v4 =	vsel vm1, v4, v12  }
0x179: {  	v11 =	vadd.f32 v11, v56;
	v56 =	vld [tilespmem:$0x1FE50];
	v4 =	vcombine.low v4, v42  }
0x17a: {  	v1 =	vadd.f32 v41, v1;
	v0 =	vadd.f32 v0, v3;
	v3 =	vld.idx.msk [tilespmem:v33+s9+$0x0], $0xffff  }
0x17b: {  	v31 =	vld.idx.msk [tilespmem:v52+s9+$0x0], $0xffff  }
0x17c: {  	v1 =	vadd.f32 v8, v1;
	v8 =	vcombine.low v27, v21;
	v10 =	vld.idx.msk [tilespmem:v10+s9+$0x0], $0xffff  }
0x17d: {  	v47 =	vld [tilespmem:$0x1FE10];
	v9 =	vadd.f32 v18, v9;
	v18 =	vsel vm1, v58, v54  }
0x17e: {  	v48 =	vld [tilespmem:$0x1FE00];
	v18 =	vcombine.low v49, v18;
	v1 =	vmax.f32 v1, $0.0e+00  }
0x17f: {  	v1 =	vmul.f32 v1, v3;
	v4 =	vld.idx.msk [tilespmem:v4+s9+$0x0], $0xffff  }
0x180: {  	v7 =	vcombine.low v63, v7;
	v54 =	vld.idx.msk [tilespmem:v55+s2+$0x0], $0xffff;
	v3 =	vmax.f32 v9, $0.0e+00  }
0x181: {  	v55 =	vld [tilespmem:$0x1FE80];
	v0 =	vadd.f32 v1, v0;
	v1 =	vmul.f32 v3, v10  }
0x182: {  	v16 =	vcombine.low v16, v17;
	v3 =	vld.idx.msk [tilespmem:v8+s9+$0x0], $0xffff  }
0x183: {  	v32 =	vnsel vm9, $0x11, v51;
	v8 =	vld [tilespmem:$0x1FEC0];
	v0 =	vadd.f32 v1, v0  }
0x184: {  	v30 =	vnsel vm9, $0x10, v47;
	v1 =	vadd.f32 v31, v2;
	v4 =	vadd.f32 v4, v5;
	v5 =	vld.idx.msk [tilespmem:v18+s9+$0x0], $0xffff  }
0x185: {  	v63 =	vld [tilespmem:$0x1FF10];
	v32 =	vsel vm1, v53, v32;
	v30 =	vsel vm1, v48, v30  }
0x186: {  	v7 =	vld.idx.msk [tilespmem:v7+s9+$0x0], $0xffff;
	v30 =	vsel vm10, v50, v30;
	v9 =	vsel vm11, v45, v32;
	v1 =	vmax.f32 v1, $0.0e+00  }
0x187: {  	v39 =	vld [tilespmem:$0x1FBF0];
	v9 =	vsel vm5, $0x10, v9;
	v1 =	vmul.f32 v1, v3  }
0x188: {  	v16 =	vld.idx.msk [tilespmem:v16+s9+$0x0], $0xffff;
	v33 =	vsel vm1, v55, v56;
	v4 =	vmax.f32 v4, $0.0e+00  }
0x189: {  	v8 =	vcombine.low v33, v8;
	v0 =	vadd.f32 v1, v0;
	v1 =	vmul.f32 v4, v5;
	v4 =	vld [tilespmem:$0x1FEF0]  }
0x18a: {  	v44 =	vld [tilespmem:$0x1FC20]  }
0x18b: {  	v17 =	vld.idx.msk [tilespmem:v30+s9+$0x0], $0xffff  }
0x18c: {  	v9 =	vld.idx.msk [tilespmem:v9+s9+$0x0], $0xffff;
	v18 =	vcombine.low v24, v25  }
0x18d: {  	v5 =	vld [tilespmem:$0x1FC30]  }
0x18e: {  	v60 =	vld [tilespmem:$0x1FF00];
	v14 =	vadd.f32 v38, v14  }
0x18f: {  	v8 =	vld.idx.msk [tilespmem:v8+s9+$0x0], $0xffff  }
0x190: {  	v13 =	vcombine.low v13, v26;
	v6 =	vadd.f32 v39, v6;
	v62 =	vld [tilespmem:$0x1FCA0];
	v3 =	vadd.f32 v17, v14  }
0x191: {  	v11 =	vadd.f32 v36, v11;
	v58 =	vnsel vm9, $0x14, v48;
	v10 =	vadd.f32 v29, v61;
	v4 =	vld.idx.msk [tilespmem:v4+s9+$0x0], $0xffff  }
0x192: {  	v3 =	vmax.f32 v3, $0.0e+00;
	v5 =	vadd.f32 v9, v5;
	v9 =	vcombine.low v15, v23;
	v15 =	vld.idx.msk [tilespmem:v18+s9+$0x0], $0xffff  }
0x193: {  	v61 =	vnsel vm9, $0x15, v53;
	v0 =	vadd.f32 v1, v0;
	v1 =	vmul.f32 v3, v7  }
0x194: {  	v2 =	vld [tilespmem:$0x1FC10];
	v24 =	vsel vm12, v60, v58;
	v7 =	vadd.f32 v8, v11;
	v5 =	vmax.f32 v5, $0.0e+00  }
0x195: {  	v12 =	vld.idx.msk [tilespmem:v34+s2+$0x0], $0xffff;
	v25 =	vsel vm13, v63, v61;
	v0 =	vadd.f32 v1, v0;
	v1 =	vmul.f32 v5, v16  }
0x196: {  	v24 =	vsel vm0, v62, v24;
	v18 =	vld [tilespmem:$0x1FC00];
	v4 =	vadd.f32 v4, v6;
	v6 =	vmax.f32 v7, $0.0e+00  }
0x197: {  	v14 =	vsel vm4, v46, v25;
	v0 =	vadd.f32 v1, v0;
	v1 =	vmul.f32 v6, v15;
	v6 =	vld [tilespmem:$0x1FEA0]  }
0x198: {  	v17 =	vcombine.low v20, v22;
	v14 =	vsel vm5, $0x14, v14;
	v11 =	vld.idx.msk [tilespmem:v13+s9+$0x0], $0xffff  }
0x199: {  	v13 =	vld [tilespmem:$0x1FBE0]  }
0x19a: {  	v28 =	vld.idx.msk [tilespmem:v44+s2+$0x0], $0xffff  }
0x19b: {  	v3 =	vld.idx.msk [tilespmem:v24+s9+$0x0], $0xffff  }
0x19c: {  	v2 =	vld.idx.msk [tilespmem:v2+s2+$0x0], $0xffff;
	v8 =	vcombine.low v21, v27;
	v10 =	vadd.f32 v18, v10  }
0x19d: {  	v12 =	vadd.f32 v12, v19;
	v5 =	vld.idx.msk [tilespmem:v14+s9+$0x0], $0xffff  }
0x19e: {  	v10 =	vadd.f32 v13, v10;
	v7 =	vld.idx.msk [tilespmem:v17+s9+$0x0], $0xffff  }
0x19f: {  	v12 =	vadd.f32 v28, v12;
	v6 =	vld.idx.msk [tilespmem:v6+s9+$0x0], $0xffff  }
0x1a0: {  	v9 =	vld.idx.msk [tilespmem:v9+s9+$0x0], $0xffff;
	v13 =	vadd.f32 v54, v59;
	v3 =	vadd.f32 v3, v10;
	v4 =	vmax.f32 v4, $0.0e+00  }
0x1a1: {  	v0 =	vadd.f32 v1, v0;
	v1 =	vmul.f32 v4, v11  }
0x1a2: {  	v2 =	vadd.f32 v2, v13;
	v4 =	vadd.f32 v5, v12;
	v3 =	vmax.f32 v3, $0.0e+00;
	v5 =	vld.idx.msk [tilespmem:v8+s9+$0x0], $0xffff  }
0x1a3: {  	v0 =	vadd.f32 v1, v0;
	v1 =	vmul.f32 v3, v7  }
0x1a4: {  	v3 =	vmax.f32 v4, $0.0e+00;
	v2 =	vadd.f32 v6, v2  }
0x1a5: {  	v0 =	vadd.f32 v1, v0;
	v1 =	vmul.f32 v3, v9  }
0x1a6: {  	v2 =	vmax.f32 v2, $0.0e+00  }
0x1a7: {  	v0 =	vadd.f32 v1, v0;
	v1 =	vmul.f32 v2, v5;
	_ =	sdelay $0x1  }
0x1a8: {  	v0 =	vadd.f32 v1, v0;
	_ =	sdelay $0x1  }
0x1a9: {  	v0 =	vsub.f32 $0.0e+00, v0;
	_ =	sdelay $0x1  }
0x1aa: {  	v0 =	vmul.f32 $1.442695020e+00, v0;
	_ =	sdelay $0x1  }
0x1ab: {  	(erf) = vpow2.f32 v0;
	_ =	sdelay $0x8  }
0x1ac: {  	v0 =	vpop (erf)  }
0x1ad: {  	v0 =	vadd.f32 $1.000000000e+00, v0;
	_ =	sdelay $0x1  }
0x1ae: {  	v33 =	vld [tilespmem:$0x1FF60];
	(erf) = vrcp.f32 v0  }
0x1af: {  	v17 =	vld [tilespmem:$0x1FFF0]  }
0x1b0: {  	v10 =	vld [tilespmem:$0x1FFC0]  }
0x1b1: {  	v15 =	vld [tilespmem:$0x1FFE0]  }
0x1b2: {  	s14 =	sadd.s32 $0x1, s14;
	v8 =	vld [tilespmem:$0x1FF50]  }
0x1b3: {  	p0 =	sne.s32 s14, $0x20;
	v12 =	vld [tilespmem:$0x1FFD0]  }
.Ltmp2:
0x1b4: {  	v4 =	vld [tilespmem:$0x1FF90];
	(pc) =	sbr.rel @p0 .LBB2_4-.Ltmp2, $4  }
0x1b5: {  	v7 =	vld [tilespmem:$0x1FFB0]  }
0x1b6: {  	v3 =	vld [tilespmem:$0x1FF80]  }
0x1b7: {  	v9 =	vld [tilespmem:$0x1FF70];
	v0 =	vpop (erf)  }
0x1b8: {  	v47 =	vlaneseq.u32;
	v16 =	vmovc v57;
	v14 =	vmov v40;
	v11 =	vmov v37;
	v5 =	vld [tilespmem:$0x1FFA0];
	[tilespmem:s15+$0x1E000] =	vst v0  }
0x1b9: {  	s12 =	sadd.s32 $0x1, s12  }
0x1ba: {  	p0 =	sne.s32 s12, s7  }
.Ltmp3:
0x1bb: {  	_ = 	snop;
	(pc) =	sbr.rel @p0 .LBB2_1-.Ltmp3, $4  }
0x1bc: {  	[hbm4b:s6+s2] =	stream.linear.scatter [tilespmem:s11], [sflag:$0x1], $0x200, $0x38;
	[tilespmem:$0x1E230] =	vst v63  }
0x1bd: {  	_ =	swait.ge [sflag:s8], $0x200  }
0x1be: {  	[sflag:s8] =	ssyncset.done $0x0  }
0x1bf: {  	[sflag:s8] =	ssyncadd.s32 $0xFFFFFE00  }
0x1c0: {  	_ =	sfence.sel $0x180000  }
0x1c1: {  	[bflag:$0x0] =	sbarrier.arrive $0xFFFF  }
0x1c2: {  	p0 =	sne.s32 s0, $0x0;
	_ =	strace $0x90000047  }
0x1c3: {  	s0 =	sadd.s32 @!p0 $0x100000, s1;
	[bflag:$0x2] =	sbarrier.arrive $0xFFFF  }
0x1c4: {  	[sflag:s0] =	ssyncadd.tile.s32 @!p0 $0x1;
	_ =	shalt  }
.Lfunc_end2:
_tile_overlayer_lowered:
.L_overlay_start_2:
0x1c5: {  	(tag) =	ssettag $0x2  }
0x1c6: {  	s0 =	rddreg [dreg:$0x0];
	s2 =	stileid.u32  }
0x1c7: {  	s1 =	rddreg [dreg:$0x1];
	p0 =	sne.s32 s2, $0x0  }
0x1c8: {  	s3 =	rddreg [dreg:$0x2];
	[bflag:$0x3] =	sbarrier.arrive $0xFFFF;
	s2 =	simm.s32 @!p0 $0x1C01  }
0x1c9: {  	[timem:s3], [sflag:s2] =	dma.local @!p0 [hbm:s0], s1  }
0x1ca: {  	s0 =	simm.s32 @!p0 $0x1  }
0x1cb: {  	_ =	swait.ge @!p0 [sflag:s0], s1  }
0x1cc: {  	s1 =	ssub.s32 @!p0 $0x0, s1;
	[sflag:s0] =	ssyncset.done @!p0 $0x0  }
0x1cd: {  	[sflag:s0] =	ssyncadd.s32 @!p0 s1  }
0x1ce: {  	[bflag:$0x3] =	sbarrier.arrive $0xFFFF  }
0x1cf: {  	_ =	shalt  }

</sc_bundles>
